<compile_context>
chip_gen: v7x
topology: tpu7x:2x2x1
jax: 0.10.2.dev20260603
libtpu: 0.0.44.dev20260713+nightly
codegen_flags: <defaults>
</compile_context>

<pallas_src>
import functools

import jax
import jax.numpy as jnp
from jax import lax
from jax.experimental import pallas as pl
from jax.experimental.pallas import tpu as pltpu
from jax.experimental.pallas import tpu_sc as plsc

_MAX_LEN = 2048
_HIDDEN = 64
_BATCH = 4096
_HIST = 200

_NC = 2
_NS = 16
_NW = _NC * _NS
_NJT = _HIDDEN // 8
_NHG = _NW // _NJT
_H_PER_G = _HIST // _NHG
_NBT = _BATCH // 128
_LANES = 16

_mesh = plsc.VectorSubcoreMesh(core_axis_name="c", subcore_axis_name="s")


@functools.partial(
    pl.kernel,
    mesh=_mesh,
    out_type=jax.ShapeDtypeStruct((_HIST, _NJT, _NBT, 8, 128), jnp.float32),
    scratch_types=(
        [
            pltpu.VMEM((8, _MAX_LEN), jnp.float32),
            pltpu.VMEM((2, _BATCH), jnp.int32),
            pltpu.VMEM((2, _NBT, 8, 128), jnp.float32),
        ]
        + [pltpu.SemaphoreType.DMA] * 4
    ),
    compiler_params=pltpu.CompilerParams(
        use_tc_tiling_on_sc=False, needs_layout_passes=False
    ),
)
def _gather_kernel(xt_hbm, tabt_hbm, p_hbm, tab_v, idx_v, blk_v, *sems):
    isem = sems[:2]
    wsem = sems[2:]
    wid = lax.axis_index("s") * _NC + lax.axis_index("c")
    jt = wid % _NJT
    hg = wid // _NJT
    h0 = hg * _H_PER_G

    pltpu.sync_copy(tabt_hbm.at[pl.ds(jt * 8, 8)], tab_v)

    jr_splat = [jnp.full((_LANES,), jr, dtype=jnp.int32) for jr in range(8)]

    def idx_load(hi, par):
        return pltpu.make_async_copy(
            xt_hbm.at[h0 + hi], idx_v.at[par], isem[par]
        )

    def blk_write(hi, par):
        return pltpu.make_async_copy(
            blk_v.at[par], p_hbm.at[h0 + hi, jt], wsem[par]
        )

    def compute(par):
        @plsc.parallel_loop(0, _NBT * 8, unroll=2)
        def _(it):
            bt = it // 8
            v = it % 8
            iv = idx_v[par, pl.ds(it * 16, _LANES)]
            for jr in range(8):
                g = plsc.load_gather(tab_v, [jr_splat[jr], iv])
                blk_v[par, bt, jr, pl.ds(v * 16, _LANES)] = g

    idx_load(0, 0).start()

    def body(hh, carry):
        for par in range(2):
            hi = hh * 2 + par

            @pl.when(hi + 1 < _H_PER_G)
            def _():
                idx_load(hi + 1, 1 - par).start()

            idx_load(hi, par).wait()

            @pl.when(hh > 0)
            def _():
                blk_write(hi - 2, par).wait()

            compute(par)
            blk_write(hi, par).start()
        return carry

    lax.fori_loop(0, _H_PER_G // 2, body, 0)

    blk_write(_H_PER_G - 2, 0).wait()
    blk_write(_H_PER_G - 1, 1).wait()


def kernel(x, table):
    p = _gather_kernel(x.T, table.T)
    return p.transpose(2, 4, 0, 1, 3).reshape(_BATCH, _HIST, _HIDDEN)

# --- scband reference (transcript-rebuilt; emitter-appended) ---
"""Pipeline reference for scband-positional-embedding-5050881540375 (READ-ONLY COPY).

The authoritative reference and input builder live on the scoring server;
editing this copy changes nothing except your own understanding.
"""

import jax, jax.numpy as jnp
import numpy as np

MAX_LEN = 2048
HIDDEN = 64
BATCH = 4096
HIST = 200


def _init_posi_embedding(max_len, hidden_size):
    # Faithful vectorized version of the torch module's sinusoidal init:
    #   even cols: sin(pos / 10000 ** (2*idx/hidden))
    #   odd  cols: cos(pos / 10000 ** (2*idx/hidden))
    pos = np.arange(max_len, dtype=np.float32)[:, None]
    table = np.zeros((max_len, hidden_size), dtype=np.float32)
    even = np.arange(0, hidden_size, 2)
    odd = np.arange(1, hidden_size, 2)
    table[:, even] = np.sin(pos / (10000.0 ** (2.0 * even / hidden_size)))
    table[:, odd] = np.cos(pos / (10000.0 ** (2.0 * odd / hidden_size)))
    return jnp.asarray(table)


def setup_inputs(seed: int = 0) -> dict:
    key = jax.random.key(seed)
    x = jax.random.randint(key, (BATCH, HIST), 0, MAX_LEN, dtype=jnp.int32)
    table = _init_posi_embedding(MAX_LEN, HIDDEN)
    return {"x": x, "table": table}


def reference(x, table):
    # nn.Embedding.from_pretrained lookup == row gather from the table
    return jnp.take(table, x, axis=0)

if __name__ == "__main__":
    import jax
    _d = setup_inputs()
    print(jax.jit(kernel)(*tuple(_d.values())))

</pallas_src>

<mosaic_0001>
#map = affine_map<(d0, d1) -> (0, 0)>
#map1 = affine_map<(d0, d1) -> (0, 0, 0, 0, 0)>
module attributes {stable_mosaic.version = 14 : i64} {
  func.func @_gather_kernel(%arg0: i32, %arg1: i32, %arg2: memref<200x4096xi32, #tpu.memory_space<hbm>>, %arg3: memref<64x2048xf32, #tpu.memory_space<hbm>>, %arg4: memref<200x8x32x8x128xf32, #tpu.memory_space<hbm>>, %arg5: memref<8x2048xf32, #tpu.memory_space<vmem>>, %arg6: memref<2x4096xi32, #tpu.memory_space<vmem>>, %arg7: memref<2x32x8x128xf32, #tpu.memory_space<vmem>>, %arg8: memref<!tpu.dma_semaphore, #tpu.memory_space<semaphore_mem>>, %arg9: memref<!tpu.dma_semaphore, #tpu.memory_space<semaphore_mem>>, %arg10: memref<!tpu.dma_semaphore, #tpu.memory_space<semaphore_mem>>, %arg11: memref<!tpu.dma_semaphore, #tpu.memory_space<semaphore_mem>>) attributes {dimension_semantics = [#tpu.dimension_semantics<core_parallel>, #tpu.dimension_semantics<subcore_parallel>], iteration_bounds = array<i64: 2, 16>, scalar_prefetch = 0 : i64, scratch_operands = 7 : i64, tpu.core_type = #tpu.core_type<sc_vector_subcore>, window_params = [{transform_indices = #map}, {transform_indices = #map}, {transform_indices = #map1}]} {
    %mul3A = arith.constant 2 : i32
    %mul3A_0 = arith.muli %arg1, %mul3A : i32
    %add3A = arith.addi %mul3A_0, %arg0 : i32
    %jit3A = arith.constant 8 : i32
    %eq3A = arith.constant 0 : i32
    %eq3A_1 = arith.cmpi eq, %jit3A, %eq3A : i32
    %jit3A_2 = arith.constant 1 : i32
    %select_n3A = arith.select %eq3A_1, %jit3A_2, %jit3A : i32
    %rem3A = arith.remsi %add3A, %select_n3A : i32
    %ne3A = arith.constant 0 : i32
    %ne3A_3 = arith.cmpi ne, %rem3A, %ne3A : i32
    %lt3A = arith.constant 0 : i32
    %lt3A_4 = arith.cmpi slt, %rem3A, %lt3A : i32
    %lt3A_5 = arith.constant 0 : i32
    %lt3A_6 = arith.cmpi slt, %select_n3A, %lt3A_5 : i32
    %ne3A_7 = arith.xori %lt3A_4, %lt3A_6 : i1
    %and3A = arith.andi %ne3A_7, %ne3A_3 : i1
    %add3A_8 = arith.addi %rem3A, %select_n3A : i32
    %select_n3A_9 = arith.select %and3A, %add3A_8, %rem3A : i32
    %jit3A_10 = arith.constant 8 : i32
    %div3A = arith.divsi %add3A, %jit3A_10 : i32
    %sign3A = arith.constant 0 : i32
    %sign3A_11 = arith.cmpi sgt, %add3A, %sign3A : i32
    %sign3A_12 = arith.extui %sign3A_11 : i1 to i32
    %sign3A_13 = arith.constant 0 : i32
    %sign3A_14 = arith.cmpi slt, %add3A, %sign3A_13 : i32
    %sign3A_15 = arith.extui %sign3A_14 : i1 to i32
    %sign3A_16 = arith.subi %sign3A_12, %sign3A_15 : i32
    %sign3A_17 = arith.constant 0 : i32
    %sign3A_18 = arith.cmpi sgt, %jit3A_10, %sign3A_17 : i32
    %sign3A_19 = arith.extui %sign3A_18 : i1 to i32
    %sign3A_20 = arith.constant 0 : i32
    %sign3A_21 = arith.cmpi slt, %jit3A_10, %sign3A_20 : i32
    %sign3A_22 = arith.extui %sign3A_21 : i1 to i32
    %sign3A_23 = arith.subi %sign3A_19, %sign3A_22 : i32
    %ne3A_24 = arith.cmpi ne, %sign3A_16, %sign3A_23 : i32
    %rem3A_25 = arith.remsi %add3A, %jit3A_10 : i32
    %ne3A_26 = arith.constant 0 : i32
    %ne3A_27 = arith.cmpi ne, %rem3A_25, %ne3A_26 : i32
    %and3A_28 = arith.andi %ne3A_24, %ne3A_27 : i1
    %sub3A = arith.constant 1 : i32
    %sub3A_29 = arith.subi %div3A, %sub3A : i32
    %select_n3A_30 = arith.select %and3A_28, %sub3A_29, %div3A : i32
    %mul3A_31 = arith.constant 50 : i32
    %mul3A_32 = arith.muli %select_n3A_30, %mul3A_31 : i32
    %mul3A_33 = arith.constant 8 : i32
    %mul3A_34 = arith.muli %select_n3A_9, %mul3A_33 : i32
    "tpu.region"() ({
      %run_scoped3A = tpu.sem_alloc : memref<!tpu.dma_semaphore, #tpu.memory_space<semaphore_mem>>
      %dma_start3A_114 = arith.constant 0 : i32
      %dma_start3A_115 = tpu.memref_slice %arg3[%mul3A_34, %dma_start3A_114] : memref<64x2048xf32, #tpu.memory_space<hbm>> -> memref<8x2048xf32, #tpu.memory_space<hbm>>
      %dma_start3A_116 = arith.constant 0 : i32
      %dma_start3A_117 = tpu.memref_slice %arg3[%mul3A_34, %dma_start3A_116] : memref<64x2048xf32, #tpu.memory_space<hbm>> -> memref<8x2048xf32, #tpu.memory_space<hbm>>
      tpu.enqueue_dma source(%dma_start3A_117 : memref<8x2048xf32, #tpu.memory_space<hbm>>) target(%arg5 : memref<8x2048xf32, #tpu.memory_space<vmem>>) target_semaphore(%run_scoped3A : memref<!tpu.dma_semaphore, #tpu.memory_space<semaphore_mem>>)
      %dma_wait3A_118 = arith.constant 0 : i32
      %dma_wait3A_119 = tpu.memref_slice %arg3[%mul3A_34, %dma_wait3A_118] : memref<64x2048xf32, #tpu.memory_space<hbm>> -> memref<8x2048xf32, #tpu.memory_space<hbm>>
      %dma_wait3A_120 = arith.constant 0 : i32
      %dma_wait3A_121 = tpu.memref_slice %arg3[%mul3A_34, %dma_wait3A_120] : memref<64x2048xf32, #tpu.memory_space<hbm>> -> memref<8x2048xf32, #tpu.memory_space<hbm>>
      tpu.wait_dma2 semaphore(%run_scoped3A : memref<!tpu.dma_semaphore, #tpu.memory_space<semaphore_mem>>) src(%dma_wait3A_121 : memref<8x2048xf32, #tpu.memory_space<hbm>>) dst(%arg5 : memref<8x2048xf32, #tpu.memory_space<vmem>>)
      tpu.yield
    }) : () -> ()
    %broadcast_in_dim3A = arith.constant 0 : i32
    %broadcast_in_dim3A_35 = vector.broadcast %broadcast_in_dim3A : i32 to vector<16xi32>
    %broadcast_in_dim3A_36 = arith.constant 1 : i32
    %broadcast_in_dim3A_37 = vector.broadcast %broadcast_in_dim3A_36 : i32 to vector<16xi32>
    %broadcast_in_dim3A_38 = arith.constant 2 : i32
    %broadcast_in_dim3A_39 = vector.broadcast %broadcast_in_dim3A_38 : i32 to vector<16xi32>
    %broadcast_in_dim3A_40 = arith.constant 3 : i32
    %broadcast_in_dim3A_41 = vector.broadcast %broadcast_in_dim3A_40 : i32 to vector<16xi32>
    %broadcast_in_dim3A_42 = arith.constant 4 : i32
    %broadcast_in_dim3A_43 = vector.broadcast %broadcast_in_dim3A_42 : i32 to vector<16xi32>
    %broadcast_in_dim3A_44 = arith.constant 5 : i32
    %broadcast_in_dim3A_45 = vector.broadcast %broadcast_in_dim3A_44 : i32 to vector<16xi32>
    %broadcast_in_dim3A_46 = arith.constant 6 : i32
    %broadcast_in_dim3A_47 = vector.broadcast %broadcast_in_dim3A_46 : i32 to vector<16xi32>
    %broadcast_in_dim3A_48 = arith.constant 7 : i32
    %broadcast_in_dim3A_49 = vector.broadcast %broadcast_in_dim3A_48 : i32 to vector<16xi32>
    %add3A_50 = arith.constant 0 : i32
    %add3A_51 = arith.addi %mul3A_32, %add3A_50 : i32
    %dma_start3A = arith.constant 0 : i32
    %dma_start3A_52 = arith.constant 0 : i32
    %dma_start3A_53 = tpu.memref_slice %arg6[%dma_start3A, %dma_start3A_52] : memref<2x4096xi32, #tpu.memory_space<vmem>> -> memref<1x4096xi32, #tpu.memory_space<vmem>>
    %dma_start3A_54 = tpu.memref_squeeze %dma_start3A_53 : memref<1x4096xi32, #tpu.memory_space<vmem>> -> memref<4096xi32, #tpu.memory_space<vmem>>
    %dma_start3A_55 = arith.constant 0 : i32
    %dma_start3A_56 = tpu.memref_slice %arg2[%add3A_51, %dma_start3A_55] : memref<200x4096xi32, #tpu.memory_space<hbm>> -> memref<1x4096xi32, #tpu.memory_space<hbm>>
    %dma_start3A_57 = tpu.memref_squeeze %dma_start3A_56 : memref<1x4096xi32, #tpu.memory_space<hbm>> -> memref<4096xi32, #tpu.memory_space<hbm>>
    %dma_start3A_58 = arith.constant 0 : i32
    %dma_start3A_59 = tpu.memref_slice %arg6[%dma_start3A, %dma_start3A_58] : memref<2x4096xi32, #tpu.memory_space<vmem>> -> memref<1x4096xi32, #tpu.memory_space<vmem>>
    %dma_start3A_60 = tpu.memref_squeeze %dma_start3A_59 : memref<1x4096xi32, #tpu.memory_space<vmem>> -> memref<4096xi32, #tpu.memory_space<vmem>>
    %dma_start3A_61 = arith.constant 0 : i32
    %dma_start3A_62 = tpu.memref_slice %arg2[%add3A_51, %dma_start3A_61] : memref<200x4096xi32, #tpu.memory_space<hbm>> -> memref<1x4096xi32, #tpu.memory_space<hbm>>
    %dma_start3A_63 = tpu.memref_squeeze %dma_start3A_62 : memref<1x4096xi32, #tpu.memory_space<hbm>> -> memref<4096xi32, #tpu.memory_space<hbm>>
    tpu.enqueue_dma source(%dma_start3A_63 : memref<4096xi32, #tpu.memory_space<hbm>>) target(%dma_start3A_60 : memref<4096xi32, #tpu.memory_space<vmem>>) target_semaphore(%arg8 : memref<!tpu.dma_semaphore, #tpu.memory_space<semaphore_mem>>)
    %scan3A = arith.constant 0 : i32
    %scan3A_64 = arith.constant 0 : i32
    %scan3A_65 = arith.constant 25 : i32
    %scan3A_66 = arith.addi %scan3A_64, %scan3A_65 : i32
    %scan3A_67 = arith.constant 1 : i32
    scf.for %scan3A_114 = %scan3A_64 to %scan3A_66 step %scan3A_67  : i32 {
      %mul3A_115 = arith.constant 2 : i32
      %mul3A_116 = arith.muli %scan3A_114, %mul3A_115 : i32
      %add3A_117 = arith.constant 0 : i32
      %add3A_118 = arith.addi %mul3A_116, %add3A_117 : i32
      %add3A_119 = arith.constant 1 : i32
      %add3A_120 = arith.addi %add3A_118, %add3A_119 : i32
      %lt3A_121 = arith.constant 50 : i32
      %lt3A_122 = arith.cmpi slt, %add3A_120, %lt3A_121 : i32
      %convert_element_type3A = arith.extui %lt3A_122 : i1 to i32
      %cond3A = arith.constant 0 : i32
      %cond3A_123 = arith.cmpi ne, %convert_element_type3A, %cond3A : i32
      scf.if %cond3A_123 {
        %add3A_221 = arith.constant 1 : i32
        %add3A_222 = arith.addi %add3A_118, %add3A_221 : i32
        %add3A_223 = arith.addi %mul3A_32, %add3A_222 : i32
        %dma_start3A_224 = arith.constant 1 : i32
        %dma_start3A_225 = arith.constant 0 : i32
        %dma_start3A_226 = tpu.memref_slice %arg6[%dma_start3A_224, %dma_start3A_225] : memref<2x4096xi32, #tpu.memory_space<vmem>> -> memref<1x4096xi32, #tpu.memory_space<vmem>>
        %dma_start3A_227 = tpu.memref_squeeze %dma_start3A_226 : memref<1x4096xi32, #tpu.memory_space<vmem>> -> memref<4096xi32, #tpu.memory_space<vmem>>
        %dma_start3A_228 = arith.constant 0 : i32
        %dma_start3A_229 = tpu.memref_slice %arg2[%add3A_223, %dma_start3A_228] : memref<200x4096xi32, #tpu.memory_space<hbm>> -> memref<1x4096xi32, #tpu.memory_space<hbm>>
        %dma_start3A_230 = tpu.memref_squeeze %dma_start3A_229 : memref<1x4096xi32, #tpu.memory_space<hbm>> -> memref<4096xi32, #tpu.memory_space<hbm>>
        %dma_start3A_231 = arith.constant 0 : i32
        %dma_start3A_232 = tpu.memref_slice %arg6[%dma_start3A_224, %dma_start3A_231] : memref<2x4096xi32, #tpu.memory_space<vmem>> -> memref<1x4096xi32, #tpu.memory_space<vmem>>
        %dma_start3A_233 = tpu.memref_squeeze %dma_start3A_232 : memref<1x4096xi32, #tpu.memory_space<vmem>> -> memref<4096xi32, #tpu.memory_space<vmem>>
        %dma_start3A_234 = arith.constant 0 : i32
        %dma_start3A_235 = tpu.memref_slice %arg2[%add3A_223, %dma_start3A_234] : memref<200x4096xi32, #tpu.memory_space<hbm>> -> memref<1x4096xi32, #tpu.memory_space<hbm>>
        %dma_start3A_236 = tpu.memref_squeeze %dma_start3A_235 : memref<1x4096xi32, #tpu.memory_space<hbm>> -> memref<4096xi32, #tpu.memory_space<hbm>>
        tpu.enqueue_dma source(%dma_start3A_236 : memref<4096xi32, #tpu.memory_space<hbm>>) target(%dma_start3A_233 : memref<4096xi32, #tpu.memory_space<vmem>>) target_semaphore(%arg9 : memref<!tpu.dma_semaphore, #tpu.memory_space<semaphore_mem>>)
      } else {
      }
      %add3A_124 = arith.addi %mul3A_32, %add3A_118 : i32
      %dma_wait3A_125 = arith.constant 0 : i32
      %dma_wait3A_126 = arith.constant 0 : i32
      %dma_wait3A_127 = tpu.memref_slice %arg6[%dma_wait3A_125, %dma_wait3A_126] : memref<2x4096xi32, #tpu.memory_space<vmem>> -> memref<1x4096xi32, #tpu.memory_space<vmem>>
      %dma_wait3A_128 = tpu.memref_squeeze %dma_wait3A_127 : memref<1x4096xi32, #tpu.memory_space<vmem>> -> memref<4096xi32, #tpu.memory_space<vmem>>
      %dma_wait3A_129 = arith.constant 0 : i32
      %dma_wait3A_130 = tpu.memref_slice %arg2[%add3A_124, %dma_wait3A_129] : memref<200x4096xi32, #tpu.memory_space<hbm>> -> memref<1x4096xi32, #tpu.memory_space<hbm>>
      %dma_wait3A_131 = tpu.memref_squeeze %dma_wait3A_130 : memref<1x4096xi32, #tpu.memory_space<hbm>> -> memref<4096xi32, #tpu.memory_space<hbm>>
      %dma_wait3A_132 = arith.constant 0 : i32
      %dma_wait3A_133 = tpu.memref_slice %arg6[%dma_wait3A_125, %dma_wait3A_132] : memref<2x4096xi32, #tpu.memory_space<vmem>> -> memref<1x4096xi32, #tpu.memory_space<vmem>>
      %dma_wait3A_134 = tpu.memref_squeeze %dma_wait3A_133 : memref<1x4096xi32, #tpu.memory_space<vmem>> -> memref<4096xi32, #tpu.memory_space<vmem>>
      %dma_wait3A_135 = arith.constant 0 : i32
      %dma_wait3A_136 = tpu.memref_slice %arg2[%add3A_124, %dma_wait3A_135] : memref<200x4096xi32, #tpu.memory_space<hbm>> -> memref<1x4096xi32, #tpu.memory_space<hbm>>
      %dma_wait3A_137 = tpu.memref_squeeze %dma_wait3A_136 : memref<1x4096xi32, #tpu.memory_space<hbm>> -> memref<4096xi32, #tpu.memory_space<hbm>>
      tpu.wait_dma2 semaphore(%arg8 : memref<!tpu.dma_semaphore, #tpu.memory_space<semaphore_mem>>) src(%dma_wait3A_137 : memref<4096xi32, #tpu.memory_space<hbm>>) dst(%dma_wait3A_134 : memref<4096xi32, #tpu.memory_space<vmem>>)
      %gt3A = arith.constant 0 : i32
      %gt3A_138 = arith.cmpi sgt, %scan3A_114, %gt3A : i32
      %convert_element_type3A_139 = arith.extui %gt3A_138 : i1 to i32
      %cond3A_140 = arith.constant 0 : i32
      %cond3A_141 = arith.cmpi ne, %convert_element_type3A_139, %cond3A_140 : i32
      scf.if %cond3A_141 {
        %sub3A_221 = arith.constant 2 : i32
        %sub3A_222 = arith.subi %add3A_118, %sub3A_221 : i32
        %add3A_223 = arith.addi %mul3A_32, %sub3A_222 : i32
        %dma_wait3A_224 = arith.constant 0 : i32
        %dma_wait3A_225 = arith.constant 0 : i32
        %dma_wait3A_226 = arith.constant 0 : i32
        %dma_wait3A_227 = arith.constant 0 : i32
        %dma_wait3A_228 = tpu.memref_slice %arg7[%dma_wait3A_224, %dma_wait3A_225, %dma_wait3A_226, %dma_wait3A_227] : memref<2x32x8x128xf32, #tpu.memory_space<vmem>> -> memref<1x32x8x128xf32, #tpu.memory_space<vmem>>
        %dma_wait3A_229 = tpu.memref_squeeze %dma_wait3A_228 : memref<1x32x8x128xf32, #tpu.memory_space<vmem>> -> memref<32x8x128xf32, #tpu.memory_space<vmem>>
        %dma_wait3A_230 = arith.constant 0 : i32
        %dma_wait3A_231 = arith.constant 0 : i32
        %dma_wait3A_232 = arith.constant 0 : i32
        %dma_wait3A_233 = tpu.memref_slice %arg4[%add3A_223, %select_n3A_9, %dma_wait3A_230, %dma_wait3A_231, %dma_wait3A_232] : memref<200x8x32x8x128xf32, #tpu.memory_space<hbm>> -> memref<1x1x32x8x128xf32, #tpu.memory_space<hbm>>
        %dma_wait3A_234 = tpu.memref_squeeze %dma_wait3A_233 : memref<1x1x32x8x128xf32, #tpu.memory_space<hbm>> -> memref<32x8x128xf32, #tpu.memory_space<hbm>>
        %dma_wait3A_235 = arith.constant 0 : i32
        %dma_wait3A_236 = arith.constant 0 : i32
        %dma_wait3A_237 = arith.constant 0 : i32
        %dma_wait3A_238 = tpu.memref_slice %arg4[%add3A_223, %select_n3A_9, %dma_wait3A_235, %dma_wait3A_236, %dma_wait3A_237] : memref<200x8x32x8x128xf32, #tpu.memory_space<hbm>> -> memref<1x1x32x8x128xf32, #tpu.memory_space<hbm>>
        %dma_wait3A_239 = tpu.memref_squeeze %dma_wait3A_238 : memref<1x1x32x8x128xf32, #tpu.memory_space<hbm>> -> memref<32x8x128xf32, #tpu.memory_space<hbm>>
        %dma_wait3A_240 = arith.constant 0 : i32
        %dma_wait3A_241 = arith.constant 0 : i32
        %dma_wait3A_242 = arith.constant 0 : i32
        %dma_wait3A_243 = tpu.memref_slice %arg7[%dma_wait3A_224, %dma_wait3A_240, %dma_wait3A_241, %dma_wait3A_242] : memref<2x32x8x128xf32, #tpu.memory_space<vmem>> -> memref<1x32x8x128xf32, #tpu.memory_space<vmem>>
        %dma_wait3A_244 = tpu.memref_squeeze %dma_wait3A_243 : memref<1x32x8x128xf32, #tpu.memory_space<vmem>> -> memref<32x8x128xf32, #tpu.memory_space<vmem>>
        tpu.wait_dma2 semaphore(%arg10 : memref<!tpu.dma_semaphore, #tpu.memory_space<semaphore_mem>>) src(%dma_wait3A_244 : memref<32x8x128xf32, #tpu.memory_space<vmem>>) dst(%dma_wait3A_239 : memref<32x8x128xf32, #tpu.memory_space<hbm>>)
      } else {
      }
      %parallel_loop3A = arith.constant 0 : i32
      %parallel_loop3A_142 = arith.constant 256 : i32
      %parallel_loop3A_143 = arith.constant 1 : i32
      scf.for %parallel_loop3A_221 = %parallel_loop3A to %parallel_loop3A_142 step %parallel_loop3A_143  : i32 {
        %parallel_loop3A_222 = arith.constant 8 : i32
        %parallel_loop3A_223 = arith.divsi %parallel_loop3A_221, %parallel_loop3A_222 : i32
        %parallel_loop3A_224 = arith.constant 0 : i32
        %parallel_loop3A_225 = arith.cmpi sgt, %parallel_loop3A_221, %parallel_loop3A_224 : i32
        %parallel_loop3A_226 = arith.extui %parallel_loop3A_225 : i1 to i32
        %parallel_loop3A_227 = arith.constant 0 : i32
        %parallel_loop3A_228 = arith.cmpi slt, %parallel_loop3A_221, %parallel_loop3A_227 : i32
        %parallel_loop3A_229 = arith.extui %parallel_loop3A_228 : i1 to i32
        %parallel_loop3A_230 = arith.subi %parallel_loop3A_226, %parallel_loop3A_229 : i32
        %parallel_loop3A_231 = arith.constant 0 : i32
        %parallel_loop3A_232 = arith.cmpi sgt, %parallel_loop3A_222, %parallel_loop3A_231 : i32
        %parallel_loop3A_233 = arith.extui %parallel_loop3A_232 : i1 to i32
        %parallel_loop3A_234 = arith.constant 0 : i32
        %parallel_loop3A_235 = arith.cmpi slt, %parallel_loop3A_222, %parallel_loop3A_234 : i32
        %parallel_loop3A_236 = arith.extui %parallel_loop3A_235 : i1 to i32
        %parallel_loop3A_237 = arith.subi %parallel_loop3A_233, %parallel_loop3A_236 : i32
        %parallel_loop3A_238 = arith.cmpi ne, %parallel_loop3A_230, %parallel_loop3A_237 : i32
        %parallel_loop3A_239 = arith.remsi %parallel_loop3A_221, %parallel_loop3A_222 : i32
        %parallel_loop3A_240 = arith.constant 0 : i32
        %parallel_loop3A_241 = arith.cmpi ne, %parallel_loop3A_239, %parallel_loop3A_240 : i32
        %parallel_loop3A_242 = arith.andi %parallel_loop3A_238, %parallel_loop3A_241 : i1
        %parallel_loop3A_243 = arith.constant 1 : i32
        %parallel_loop3A_244 = arith.subi %parallel_loop3A_223, %parallel_loop3A_243 : i32
        %parallel_loop3A_245 = arith.select %parallel_loop3A_242, %parallel_loop3A_244, %parallel_loop3A_223 : i32
        %parallel_loop3A_246 = arith.constant 8 : i32
        %parallel_loop3A_247 = arith.constant 0 : i32
        %parallel_loop3A_248 = arith.cmpi eq, %parallel_loop3A_246, %parallel_loop3A_247 : i32
        %parallel_loop3A_249 = arith.constant 1 : i32
        %parallel_loop3A_250 = arith.select %parallel_loop3A_248, %parallel_loop3A_249, %parallel_loop3A_246 : i32
        %parallel_loop3A_251 = arith.remsi %parallel_loop3A_221, %parallel_loop3A_250 : i32
        %parallel_loop3A_252 = arith.constant 0 : i32
        %parallel_loop3A_253 = arith.cmpi ne, %parallel_loop3A_251, %parallel_loop3A_252 : i32
        %parallel_loop3A_254 = arith.constant 0 : i32
        %parallel_loop3A_255 = arith.cmpi slt, %parallel_loop3A_251, %parallel_loop3A_254 : i32
        %parallel_loop3A_256 = arith.constant 0 : i32
        %parallel_loop3A_257 = arith.cmpi slt, %parallel_loop3A_250, %parallel_loop3A_256 : i32
        %parallel_loop3A_258 = arith.xori %parallel_loop3A_255, %parallel_loop3A_257 : i1
        %parallel_loop3A_259 = arith.andi %parallel_loop3A_258, %parallel_loop3A_253 : i1
        %parallel_loop3A_260 = arith.addi %parallel_loop3A_251, %parallel_loop3A_250 : i32
        %parallel_loop3A_261 = arith.select %parallel_loop3A_259, %parallel_loop3A_260, %parallel_loop3A_251 : i32
        %parallel_loop3A_262 = arith.constant 16 : i32
        %parallel_loop3A_263 = arith.muli %parallel_loop3A_221, %parallel_loop3A_262 : i32
        %parallel_loop3A_264 = arith.constant 0 : i32
        %parallel_loop3A_265 = arith.index_cast %parallel_loop3A_264 : i32 to index
        %parallel_loop3A_266 = arith.index_cast %parallel_loop3A_263 : i32 to index
        %parallel_loop3A_267 = tpu.vector_load %arg6[%parallel_loop3A_265, %parallel_loop3A_266] {strides = array<i32>} : memref<2x4096xi32, #tpu.memory_space<vmem>>, vector<16xi32>,
        %parallel_loop3A_268 = tpu.vector_load_idx %arg5[%broadcast_in_dim3A_35, %parallel_loop3A_267] : memref<8x2048xf32, #tpu.memory_space<vmem>>[vector<16xi32>, vector<16xi32>], vector<16xf32>,
        %parallel_loop3A_269 = arith.constant 16 : i32
        %parallel_loop3A_270 = arith.muli %parallel_loop3A_261, %parallel_loop3A_269 : i32
        %parallel_loop3A_271 = arith.constant 0 : i32
        %parallel_loop3A_272 = arith.constant 0 : i32
        %parallel_loop3A_273 = arith.index_cast %parallel_loop3A_271 : i32 to index
        %parallel_loop3A_274 = arith.index_cast %parallel_loop3A_245 : i32 to index
        %parallel_loop3A_275 = arith.index_cast %parallel_loop3A_272 : i32 to index
        %parallel_loop3A_276 = arith.index_cast %parallel_loop3A_270 : i32 to index
        %parallel_loop3A_277 = tpu.vector_load %arg7[%parallel_loop3A_273, %parallel_loop3A_274, %parallel_loop3A_275, %parallel_loop3A_276] {strides = array<i32>} : memref<2x32x8x128xf32, #tpu.memory_space<vmem>>, vector<16xf32>,
        tpu.vector_store %arg7[%parallel_loop3A_273, %parallel_loop3A_274, %parallel_loop3A_275, %parallel_loop3A_276], %parallel_loop3A_268 {strides = array<i32>} : memref<2x32x8x128xf32, #tpu.memory_space<vmem>>, vector<16xf32>,
        %parallel_loop3A_278 = tpu.vector_load_idx %arg5[%broadcast_in_dim3A_37, %parallel_loop3A_267] : memref<8x2048xf32, #tpu.memory_space<vmem>>[vector<16xi32>, vector<16xi32>], vector<16xf32>,
        %parallel_loop3A_279 = arith.constant 16 : i32
        %parallel_loop3A_280 = arith.muli %parallel_loop3A_261, %parallel_loop3A_279 : i32
        %parallel_loop3A_281 = arith.constant 0 : i32
        %parallel_loop3A_282 = arith.constant 1 : i32
        %parallel_loop3A_283 = arith.index_cast %parallel_loop3A_281 : i32 to index
        %parallel_loop3A_284 = arith.index_cast %parallel_loop3A_245 : i32 to index
        %parallel_loop3A_285 = arith.index_cast %parallel_loop3A_282 : i32 to index
        %parallel_loop3A_286 = arith.index_cast %parallel_loop3A_280 : i32 to index
        %parallel_loop3A_287 = tpu.vector_load %arg7[%parallel_loop3A_283, %parallel_loop3A_284, %parallel_loop3A_285, %parallel_loop3A_286] {strides = array<i32>} : memref<2x32x8x128xf32, #tpu.memory_space<vmem>>, vector<16xf32>,
        tpu.vector_store %arg7[%parallel_loop3A_283, %parallel_loop3A_284, %parallel_loop3A_285, %parallel_loop3A_286], %parallel_loop3A_278 {strides = array<i32>} : memref<2x32x8x128xf32, #tpu.memory_space<vmem>>, vector<16xf32>,
        %parallel_loop3A_288 = tpu.vector_load_idx %arg5[%broadcast_in_dim3A_39, %parallel_loop3A_267] : memref<8x2048xf32, #tpu.memory_space<vmem>>[vector<16xi32>, vector<16xi32>], vector<16xf32>,
        %parallel_loop3A_289 = arith.constant 16 : i32
        %parallel_loop3A_290 = arith.muli %parallel_loop3A_261, %parallel_loop3A_289 : i32
        %parallel_loop3A_291 = arith.constant 0 : i32
        %parallel_loop3A_292 = arith.constant 2 : i32
        %parallel_loop3A_293 = arith.index_cast %parallel_loop3A_291 : i32 to index
        %parallel_loop3A_294 = arith.index_cast %parallel_loop3A_245 : i32 to index
        %parallel_loop3A_295 = arith.index_cast %parallel_loop3A_292 : i32 to index
        %parallel_loop3A_296 = arith.index_cast %parallel_loop3A_290 : i32 to index
        %parallel_loop3A_297 = tpu.vector_load %arg7[%parallel_loop3A_293, %parallel_loop3A_294, %parallel_loop3A_295, %parallel_loop3A_296] {strides = array<i32>} : memref<2x32x8x128xf32, #tpu.memory_space<vmem>>, vector<16xf32>,
        tpu.vector_store %arg7[%parallel_loop3A_293, %parallel_loop3A_294, %parallel_loop3A_295, %parallel_loop3A_296], %parallel_loop3A_288 {strides = array<i32>} : memref<2x32x8x128xf32, #tpu.memory_space<vmem>>, vector<16xf32>,
        %parallel_loop3A_298 = tpu.vector_load_idx %arg5[%broadcast_in_dim3A_41, %parallel_loop3A_267] : memref<8x2048xf32, #tpu.memory_space<vmem>>[vector<16xi32>, vector<16xi32>], vector<16xf32>,
        %parallel_loop3A_299 = arith.constant 16 : i32
        %parallel_loop3A_300 = arith.muli %parallel_loop3A_261, %parallel_loop3A_299 : i32
        %parallel_loop3A_301 = arith.constant 0 : i32
        %parallel_loop3A_302 = arith.constant 3 : i32
        %parallel_loop3A_303 = arith.index_cast %parallel_loop3A_301 : i32 to index
        %parallel_loop3A_304 = arith.index_cast %parallel_loop3A_245 : i32 to index
        %parallel_loop3A_305 = arith.index_cast %parallel_loop3A_302 : i32 to index
        %parallel_loop3A_306 = arith.index_cast %parallel_loop3A_300 : i32 to index
        %parallel_loop3A_307 = tpu.vector_load %arg7[%parallel_loop3A_303, %parallel_loop3A_304, %parallel_loop3A_305, %parallel_loop3A_306] {strides = array<i32>} : memref<2x32x8x128xf32, #tpu.memory_space<vmem>>, vector<16xf32>,
        tpu.vector_store %arg7[%parallel_loop3A_303, %parallel_loop3A_304, %parallel_loop3A_305, %parallel_loop3A_306], %parallel_loop3A_298 {strides = array<i32>} : memref<2x32x8x128xf32, #tpu.memory_space<vmem>>, vector<16xf32>,
        %parallel_loop3A_308 = tpu.vector_load_idx %arg5[%broadcast_in_dim3A_43, %parallel_loop3A_267] : memref<8x2048xf32, #tpu.memory_space<vmem>>[vector<16xi32>, vector<16xi32>], vector<16xf32>,
        %parallel_loop3A_309 = arith.constant 16 : i32
        %parallel_loop3A_310 = arith.muli %parallel_loop3A_261, %parallel_loop3A_309 : i32
        %parallel_loop3A_311 = arith.constant 0 : i32
        %parallel_loop3A_312 = arith.constant 4 : i32
        %parallel_loop3A_313 = arith.index_cast %parallel_loop3A_311 : i32 to index
        %parallel_loop3A_314 = arith.index_cast %parallel_loop3A_245 : i32 to index
        %parallel_loop3A_315 = arith.index_cast %parallel_loop3A_312 : i32 to index
        %parallel_loop3A_316 = arith.index_cast %parallel_loop3A_310 : i32 to index
        %parallel_loop3A_317 = tpu.vector_load %arg7[%parallel_loop3A_313, %parallel_loop3A_314, %parallel_loop3A_315, %parallel_loop3A_316] {strides = array<i32>} : memref<2x32x8x128xf32, #tpu.memory_space<vmem>>, vector<16xf32>,
        tpu.vector_store %arg7[%parallel_loop3A_313, %parallel_loop3A_314, %parallel_loop3A_315, %parallel_loop3A_316], %parallel_loop3A_308 {strides = array<i32>} : memref<2x32x8x128xf32, #tpu.memory_space<vmem>>, vector<16xf32>,
        %parallel_loop3A_318 = tpu.vector_load_idx %arg5[%broadcast_in_dim3A_45, %parallel_loop3A_267] : memref<8x2048xf32, #tpu.memory_space<vmem>>[vector<16xi32>, vector<16xi32>], vector<16xf32>,
        %parallel_loop3A_319 = arith.constant 16 : i32
        %parallel_loop3A_320 = arith.muli %parallel_loop3A_261, %parallel_loop3A_319 : i32
        %parallel_loop3A_321 = arith.constant 0 : i32
        %parallel_loop3A_322 = arith.constant 5 : i32
        %parallel_loop3A_323 = arith.index_cast %parallel_loop3A_321 : i32 to index
        %parallel_loop3A_324 = arith.index_cast %parallel_loop3A_245 : i32 to index
        %parallel_loop3A_325 = arith.index_cast %parallel_loop3A_322 : i32 to index
        %parallel_loop3A_326 = arith.index_cast %parallel_loop3A_320 : i32 to index
        %parallel_loop3A_327 = tpu.vector_load %arg7[%parallel_loop3A_323, %parallel_loop3A_324, %parallel_loop3A_325, %parallel_loop3A_326] {strides = array<i32>} : memref<2x32x8x128xf32, #tpu.memory_space<vmem>>, vector<16xf32>,
        tpu.vector_store %arg7[%parallel_loop3A_323, %parallel_loop3A_324, %parallel_loop3A_325, %parallel_loop3A_326], %parallel_loop3A_318 {strides = array<i32>} : memref<2x32x8x128xf32, #tpu.memory_space<vmem>>, vector<16xf32>,
        %parallel_loop3A_328 = tpu.vector_load_idx %arg5[%broadcast_in_dim3A_47, %parallel_loop3A_267] : memref<8x2048xf32, #tpu.memory_space<vmem>>[vector<16xi32>, vector<16xi32>], vector<16xf32>,
        %parallel_loop3A_329 = arith.constant 16 : i32
        %parallel_loop3A_330 = arith.muli %parallel_loop3A_261, %parallel_loop3A_329 : i32
        %parallel_loop3A_331 = arith.constant 0 : i32
        %parallel_loop3A_332 = arith.constant 6 : i32
        %parallel_loop3A_333 = arith.index_cast %parallel_loop3A_331 : i32 to index
        %parallel_loop3A_334 = arith.index_cast %parallel_loop3A_245 : i32 to index
        %parallel_loop3A_335 = arith.index_cast %parallel_loop3A_332 : i32 to index
        %parallel_loop3A_336 = arith.index_cast %parallel_loop3A_330 : i32 to index
        %parallel_loop3A_337 = tpu.vector_load %arg7[%parallel_loop3A_333, %parallel_loop3A_334, %parallel_loop3A_335, %parallel_loop3A_336] {strides = array<i32>} : memref<2x32x8x128xf32, #tpu.memory_space<vmem>>, vector<16xf32>,
        tpu.vector_store %arg7[%parallel_loop3A_333, %parallel_loop3A_334, %parallel_loop3A_335, %parallel_loop3A_336], %parallel_loop3A_328 {strides = array<i32>} : memref<2x32x8x128xf32, #tpu.memory_space<vmem>>, vector<16xf32>,
        %parallel_loop3A_338 = tpu.vector_load_idx %arg5[%broadcast_in_dim3A_49, %parallel_loop3A_267] : memref<8x2048xf32, #tpu.memory_space<vmem>>[vector<16xi32>, vector<16xi32>], vector<16xf32>,
        %parallel_loop3A_339 = arith.constant 16 : i32
        %parallel_loop3A_340 = arith.muli %parallel_loop3A_261, %parallel_loop3A_339 : i32
        %parallel_loop3A_341 = arith.constant 0 : i32
        %parallel_loop3A_342 = arith.constant 7 : i32
        %parallel_loop3A_343 = arith.index_cast %parallel_loop3A_341 : i32 to index
        %parallel_loop3A_344 = arith.index_cast %parallel_loop3A_245 : i32 to index
        %parallel_loop3A_345 = arith.index_cast %parallel_loop3A_342 : i32 to index
        %parallel_loop3A_346 = arith.index_cast %parallel_loop3A_340 : i32 to index
        %parallel_loop3A_347 = tpu.vector_load %arg7[%parallel_loop3A_343, %parallel_loop3A_344, %parallel_loop3A_345, %parallel_loop3A_346] {strides = array<i32>} : memref<2x32x8x128xf32, #tpu.memory_space<vmem>>, vector<16xf32>,
        tpu.vector_store %arg7[%parallel_loop3A_343, %parallel_loop3A_344, %parallel_loop3A_345, %parallel_loop3A_346], %parallel_loop3A_338 {strides = array<i32>} : memref<2x32x8x128xf32, #tpu.memory_space<vmem>>, vector<16xf32>,
      } {sc.loop_unroll_factor = 2 : i64, sc.parallel_access}
      %add3A_144 = arith.addi %mul3A_32, %add3A_118 : i32
      %dma_start3A_145 = arith.constant 0 : i32
      %dma_start3A_146 = arith.constant 0 : i32
      %dma_start3A_147 = arith.constant 0 : i32
      %dma_start3A_148 = arith.constant 0 : i32
      %dma_start3A_149 = tpu.memref_slice %arg7[%dma_start3A_145, %dma_start3A_146, %dma_start3A_147, %dma_start3A_148] : memref<2x32x8x128xf32, #tpu.memory_space<vmem>> -> memref<1x32x8x128xf32, #tpu.memory_space<vmem>>
      %dma_start3A_150 = tpu.memref_squeeze %dma_start3A_149 : memref<1x32x8x128xf32, #tpu.memory_space<vmem>> -> memref<32x8x128xf32, #tpu.memory_space<vmem>>
      %dma_start3A_151 = arith.constant 0 : i32
      %dma_start3A_152 = arith.constant 0 : i32
      %dma_start3A_153 = arith.constant 0 : i32
      %dma_start3A_154 = tpu.memref_slice %arg4[%add3A_144, %select_n3A_9, %dma_start3A_151, %dma_start3A_152, %dma_start3A_153] : memref<200x8x32x8x128xf32, #tpu.memory_space<hbm>> -> memref<1x1x32x8x128xf32, #tpu.memory_space<hbm>>
      %dma_start3A_155 = tpu.memref_squeeze %dma_start3A_154 : memref<1x1x32x8x128xf32, #tpu.memory_space<hbm>> -> memref<32x8x128xf32, #tpu.memory_space<hbm>>
      %dma_start3A_156 = arith.constant 0 : i32
      %dma_start3A_157 = arith.constant 0 : i32
      %dma_start3A_158 = arith.constant 0 : i32
      %dma_start3A_159 = tpu.memref_slice %arg4[%add3A_144, %select_n3A_9, %dma_start3A_156, %dma_start3A_157, %dma_start3A_158] : memref<200x8x32x8x128xf32, #tpu.memory_space<hbm>> -> memref<1x1x32x8x128xf32, #tpu.memory_space<hbm>>
      %dma_start3A_160 = tpu.memref_squeeze %dma_start3A_159 : memref<1x1x32x8x128xf32, #tpu.memory_space<hbm>> -> memref<32x8x128xf32, #tpu.memory_space<hbm>>
      %dma_start3A_161 = arith.constant 0 : i32
      %dma_start3A_162 = arith.constant 0 : i32
      %dma_start3A_163 = arith.constant 0 : i32
      %dma_start3A_164 = tpu.memref_slice %arg7[%dma_start3A_145, %dma_start3A_161, %dma_start3A_162, %dma_start3A_163] : memref<2x32x8x128xf32, #tpu.memory_space<vmem>> -> memref<1x32x8x128xf32, #tpu.memory_space<vmem>>
      %dma_start3A_165 = tpu.memref_squeeze %dma_start3A_164 : memref<1x32x8x128xf32, #tpu.memory_space<vmem>> -> memref<32x8x128xf32, #tpu.memory_space<vmem>>
      tpu.enqueue_dma source(%dma_start3A_165 : memref<32x8x128xf32, #tpu.memory_space<vmem>>) target(%dma_start3A_160 : memref<32x8x128xf32, #tpu.memory_space<hbm>>) target_semaphore(%arg10 : memref<!tpu.dma_semaphore, #tpu.memory_space<semaphore_mem>>)
      %mul3A_166 = arith.constant 2 : i32
      %mul3A_167 = arith.muli %scan3A_114, %mul3A_166 : i32
      %add3A_168 = arith.constant 1 : i32
      %add3A_169 = arith.addi %mul3A_167, %add3A_168 : i32
      %add3A_170 = arith.constant 1 : i32
      %add3A_171 = arith.addi %add3A_169, %add3A_170 : i32
      %lt3A_172 = arith.constant 50 : i32
      %lt3A_173 = arith.cmpi slt, %add3A_171, %lt3A_172 : i32
      %convert_element_type3A_174 = arith.extui %lt3A_173 : i1 to i32
      %cond3A_175 = arith.constant 0 : i32
      %cond3A_176 = arith.cmpi ne, %convert_element_type3A_174, %cond3A_175 : i32
      scf.if %cond3A_176 {
        %add3A_221 = arith.constant 1 : i32
        %add3A_222 = arith.addi %add3A_169, %add3A_221 : i32
        %add3A_223 = arith.addi %mul3A_32, %add3A_222 : i32
        %dma_start3A_224 = arith.constant 0 : i32
        %dma_start3A_225 = arith.constant 0 : i32
        %dma_start3A_226 = tpu.memref_slice %arg6[%dma_start3A_224, %dma_start3A_225] : memref<2x4096xi32, #tpu.memory_space<vmem>> -> memref<1x4096xi32, #tpu.memory_space<vmem>>
        %dma_start3A_227 = tpu.memref_squeeze %dma_start3A_226 : memref<1x4096xi32, #tpu.memory_space<vmem>> -> memref<4096xi32, #tpu.memory_space<vmem>>
        %dma_start3A_228 = arith.constant 0 : i32
        %dma_start3A_229 = tpu.memref_slice %arg2[%add3A_223, %dma_start3A_228] : memref<200x4096xi32, #tpu.memory_space<hbm>> -> memref<1x4096xi32, #tpu.memory_space<hbm>>
        %dma_start3A_230 = tpu.memref_squeeze %dma_start3A_229 : memref<1x4096xi32, #tpu.memory_space<hbm>> -> memref<4096xi32, #tpu.memory_space<hbm>>
        %dma_start3A_231 = arith.constant 0 : i32
        %dma_start3A_232 = tpu.memref_slice %arg6[%dma_start3A_224, %dma_start3A_231] : memref<2x4096xi32, #tpu.memory_space<vmem>> -> memref<1x4096xi32, #tpu.memory_space<vmem>>
        %dma_start3A_233 = tpu.memref_squeeze %dma_start3A_232 : memref<1x4096xi32, #tpu.memory_space<vmem>> -> memref<4096xi32, #tpu.memory_space<vmem>>
        %dma_start3A_234 = arith.constant 0 : i32
        %dma_start3A_235 = tpu.memref_slice %arg2[%add3A_223, %dma_start3A_234] : memref<200x4096xi32, #tpu.memory_space<hbm>> -> memref<1x4096xi32, #tpu.memory_space<hbm>>
        %dma_start3A_236 = tpu.memref_squeeze %dma_start3A_235 : memref<1x4096xi32, #tpu.memory_space<hbm>> -> memref<4096xi32, #tpu.memory_space<hbm>>
        tpu.enqueue_dma source(%dma_start3A_236 : memref<4096xi32, #tpu.memory_space<hbm>>) target(%dma_start3A_233 : memref<4096xi32, #tpu.memory_space<vmem>>) target_semaphore(%arg8 : memref<!tpu.dma_semaphore, #tpu.memory_space<semaphore_mem>>)
      } else {
      }
      %add3A_177 = arith.addi %mul3A_32, %add3A_169 : i32
      %dma_wait3A_178 = arith.constant 1 : i32
      %dma_wait3A_179 = arith.constant 0 : i32
      %dma_wait3A_180 = tpu.memref_slice %arg6[%dma_wait3A_178, %dma_wait3A_179] : memref<2x4096xi32, #tpu.memory_space<vmem>> -> memref<1x4096xi32, #tpu.memory_space<vmem>>
      %dma_wait3A_181 = tpu.memref_squeeze %dma_wait3A_180 : memref<1x4096xi32, #tpu.memory_space<vmem>> -> memref<4096xi32, #tpu.memory_space<vmem>>
      %dma_wait3A_182 = arith.constant 0 : i32
      %dma_wait3A_183 = tpu.memref_slice %arg2[%add3A_177, %dma_wait3A_182] : memref<200x4096xi32, #tpu.memory_space<hbm>> -> memref<1x4096xi32, #tpu.memory_space<hbm>>
      %dma_wait3A_184 = tpu.memref_squeeze %dma_wait3A_183 : memref<1x4096xi32, #tpu.memory_space<hbm>> -> memref<4096xi32, #tpu.memory_space<hbm>>
      %dma_wait3A_185 = arith.constant 0 : i32
      %dma_wait3A_186 = tpu.memref_slice %arg6[%dma_wait3A_178, %dma_wait3A_185] : memref<2x4096xi32, #tpu.memory_space<vmem>> -> memref<1x4096xi32, #tpu.memory_space<vmem>>
      %dma_wait3A_187 = tpu.memref_squeeze %dma_wait3A_186 : memref<1x4096xi32, #tpu.memory_space<vmem>> -> memref<4096xi32, #tpu.memory_space<vmem>>
      %dma_wait3A_188 = arith.constant 0 : i32
      %dma_wait3A_189 = tpu.memref_slice %arg2[%add3A_177, %dma_wait3A_188] : memref<200x4096xi32, #tpu.memory_space<hbm>> -> memref<1x4096xi32, #tpu.memory_space<hbm>>
      %dma_wait3A_190 = tpu.memref_squeeze %dma_wait3A_189 : memref<1x4096xi32, #tpu.memory_space<hbm>> -> memref<4096xi32, #tpu.memory_space<hbm>>
      tpu.wait_dma2 semaphore(%arg9 : memref<!tpu.dma_semaphore, #tpu.memory_space<semaphore_mem>>) src(%dma_wait3A_190 : memref<4096xi32, #tpu.memory_space<hbm>>) dst(%dma_wait3A_187 : memref<4096xi32, #tpu.memory_space<vmem>>)
      %gt3A_191 = arith.constant 0 : i32
      %gt3A_192 = arith.cmpi sgt, %scan3A_114, %gt3A_191 : i32
      %convert_element_type3A_193 = arith.extui %gt3A_192 : i1 to i32
      %cond3A_194 = arith.constant 0 : i32
      %cond3A_195 = arith.cmpi ne, %convert_element_type3A_193, %cond3A_194 : i32
      scf.if %cond3A_195 {
        %sub3A_221 = arith.constant 2 : i32
        %sub3A_222 = arith.subi %add3A_169, %sub3A_221 : i32
        %add3A_223 = arith.addi %mul3A_32, %sub3A_222 : i32
        %dma_wait3A_224 = arith.constant 1 : i32
        %dma_wait3A_225 = arith.constant 0 : i32
        %dma_wait3A_226 = arith.constant 0 : i32
        %dma_wait3A_227 = arith.constant 0 : i32
        %dma_wait3A_228 = tpu.memref_slice %arg7[%dma_wait3A_224, %dma_wait3A_225, %dma_wait3A_226, %dma_wait3A_227] : memref<2x32x8x128xf32, #tpu.memory_space<vmem>> -> memref<1x32x8x128xf32, #tpu.memory_space<vmem>>
        %dma_wait3A_229 = tpu.memref_squeeze %dma_wait3A_228 : memref<1x32x8x128xf32, #tpu.memory_space<vmem>> -> memref<32x8x128xf32, #tpu.memory_space<vmem>>
        %dma_wait3A_230 = arith.constant 0 : i32
        %dma_wait3A_231 = arith.constant 0 : i32
        %dma_wait3A_232 = arith.constant 0 : i32
        %dma_wait3A_233 = tpu.memref_slice %arg4[%add3A_223, %select_n3A_9, %dma_wait3A_230, %dma_wait3A_231, %dma_wait3A_232] : memref<200x8x32x8x128xf32, #tpu.memory_space<hbm>> -> memref<1x1x32x8x128xf32, #tpu.memory_space<hbm>>
        %dma_wait3A_234 = tpu.memref_squeeze %dma_wait3A_233 : memref<1x1x32x8x128xf32, #tpu.memory_space<hbm>> -> memref<32x8x128xf32, #tpu.memory_space<hbm>>
        %dma_wait3A_235 = arith.constant 0 : i32
        %dma_wait3A_236 = arith.constant 0 : i32
        %dma_wait3A_237 = arith.constant 0 : i32
        %dma_wait3A_238 = tpu.memref_slice %arg4[%add3A_223, %select_n3A_9, %dma_wait3A_235, %dma_wait3A_236, %dma_wait3A_237] : memref<200x8x32x8x128xf32, #tpu.memory_space<hbm>> -> memref<1x1x32x8x128xf32, #tpu.memory_space<hbm>>
        %dma_wait3A_239 = tpu.memref_squeeze %dma_wait3A_238 : memref<1x1x32x8x128xf32, #tpu.memory_space<hbm>> -> memref<32x8x128xf32, #tpu.memory_space<hbm>>
        %dma_wait3A_240 = arith.constant 0 : i32
        %dma_wait3A_241 = arith.constant 0 : i32
        %dma_wait3A_242 = arith.constant 0 : i32
        %dma_wait3A_243 = tpu.memref_slice %arg7[%dma_wait3A_224, %dma_wait3A_240, %dma_wait3A_241, %dma_wait3A_242] : memref<2x32x8x128xf32, #tpu.memory_space<vmem>> -> memref<1x32x8x128xf32, #tpu.memory_space<vmem>>
        %dma_wait3A_244 = tpu.memref_squeeze %dma_wait3A_243 : memref<1x32x8x128xf32, #tpu.memory_space<vmem>> -> memref<32x8x128xf32, #tpu.memory_space<vmem>>
        tpu.wait_dma2 semaphore(%arg11 : memref<!tpu.dma_semaphore, #tpu.memory_space<semaphore_mem>>) src(%dma_wait3A_244 : memref<32x8x128xf32, #tpu.memory_space<vmem>>) dst(%dma_wait3A_239 : memref<32x8x128xf32, #tpu.memory_space<hbm>>)
      } else {
      }
      %parallel_loop3A_196 = arith.constant 0 : i32
      %parallel_loop3A_197 = arith.constant 256 : i32
      %parallel_loop3A_198 = arith.constant 1 : i32
      scf.for %parallel_loop3A_221 = %parallel_loop3A_196 to %parallel_loop3A_197 step %parallel_loop3A_198  : i32 {
        %parallel_loop3A_222 = arith.constant 8 : i32
        %parallel_loop3A_223 = arith.divsi %parallel_loop3A_221, %parallel_loop3A_222 : i32
        %parallel_loop3A_224 = arith.constant 0 : i32
        %parallel_loop3A_225 = arith.cmpi sgt, %parallel_loop3A_221, %parallel_loop3A_224 : i32
        %parallel_loop3A_226 = arith.extui %parallel_loop3A_225 : i1 to i32
        %parallel_loop3A_227 = arith.constant 0 : i32
        %parallel_loop3A_228 = arith.cmpi slt, %parallel_loop3A_221, %parallel_loop3A_227 : i32
        %parallel_loop3A_229 = arith.extui %parallel_loop3A_228 : i1 to i32
        %parallel_loop3A_230 = arith.subi %parallel_loop3A_226, %parallel_loop3A_229 : i32
        %parallel_loop3A_231 = arith.constant 0 : i32
        %parallel_loop3A_232 = arith.cmpi sgt, %parallel_loop3A_222, %parallel_loop3A_231 : i32
        %parallel_loop3A_233 = arith.extui %parallel_loop3A_232 : i1 to i32
        %parallel_loop3A_234 = arith.constant 0 : i32
        %parallel_loop3A_235 = arith.cmpi slt, %parallel_loop3A_222, %parallel_loop3A_234 : i32
        %parallel_loop3A_236 = arith.extui %parallel_loop3A_235 : i1 to i32
        %parallel_loop3A_237 = arith.subi %parallel_loop3A_233, %parallel_loop3A_236 : i32
        %parallel_loop3A_238 = arith.cmpi ne, %parallel_loop3A_230, %parallel_loop3A_237 : i32
        %parallel_loop3A_239 = arith.remsi %parallel_loop3A_221, %parallel_loop3A_222 : i32
        %parallel_loop3A_240 = arith.constant 0 : i32
        %parallel_loop3A_241 = arith.cmpi ne, %parallel_loop3A_239, %parallel_loop3A_240 : i32
        %parallel_loop3A_242 = arith.andi %parallel_loop3A_238, %parallel_loop3A_241 : i1
        %parallel_loop3A_243 = arith.constant 1 : i32
        %parallel_loop3A_244 = arith.subi %parallel_loop3A_223, %parallel_loop3A_243 : i32
        %parallel_loop3A_245 = arith.select %parallel_loop3A_242, %parallel_loop3A_244, %parallel_loop3A_223 : i32
        %parallel_loop3A_246 = arith.constant 8 : i32
        %parallel_loop3A_247 = arith.constant 0 : i32
        %parallel_loop3A_248 = arith.cmpi eq, %parallel_loop3A_246, %parallel_loop3A_247 : i32
        %parallel_loop3A_249 = arith.constant 1 : i32
        %parallel_loop3A_250 = arith.select %parallel_loop3A_248, %parallel_loop3A_249, %parallel_loop3A_246 : i32
        %parallel_loop3A_251 = arith.remsi %parallel_loop3A_221, %parallel_loop3A_250 : i32
        %parallel_loop3A_252 = arith.constant 0 : i32
        %parallel_loop3A_253 = arith.cmpi ne, %parallel_loop3A_251, %parallel_loop3A_252 : i32
        %parallel_loop3A_254 = arith.constant 0 : i32
        %parallel_loop3A_255 = arith.cmpi slt, %parallel_loop3A_251, %parallel_loop3A_254 : i32
        %parallel_loop3A_256 = arith.constant 0 : i32
        %parallel_loop3A_257 = arith.cmpi slt, %parallel_loop3A_250, %parallel_loop3A_256 : i32
        %parallel_loop3A_258 = arith.xori %parallel_loop3A_255, %parallel_loop3A_257 : i1
        %parallel_loop3A_259 = arith.andi %parallel_loop3A_258, %parallel_loop3A_253 : i1
        %parallel_loop3A_260 = arith.addi %parallel_loop3A_251, %parallel_loop3A_250 : i32
        %parallel_loop3A_261 = arith.select %parallel_loop3A_259, %parallel_loop3A_260, %parallel_loop3A_251 : i32
        %parallel_loop3A_262 = arith.constant 16 : i32
        %parallel_loop3A_263 = arith.muli %parallel_loop3A_221, %parallel_loop3A_262 : i32
        %parallel_loop3A_264 = arith.constant 1 : i32
        %parallel_loop3A_265 = arith.index_cast %parallel_loop3A_264 : i32 to index
        %parallel_loop3A_266 = arith.index_cast %parallel_loop3A_263 : i32 to index
        %parallel_loop3A_267 = tpu.vector_load %arg6[%parallel_loop3A_265, %parallel_loop3A_266] {strides = array<i32>} : memref<2x4096xi32, #tpu.memory_space<vmem>>, vector<16xi32>,
        %parallel_loop3A_268 = tpu.vector_load_idx %arg5[%broadcast_in_dim3A_35, %parallel_loop3A_267] : memref<8x2048xf32, #tpu.memory_space<vmem>>[vector<16xi32>, vector<16xi32>], vector<16xf32>,
        %parallel_loop3A_269 = arith.constant 16 : i32
        %parallel_loop3A_270 = arith.muli %parallel_loop3A_261, %parallel_loop3A_269 : i32
        %parallel_loop3A_271 = arith.constant 1 : i32
        %parallel_loop3A_272 = arith.constant 0 : i32
        %parallel_loop3A_273 = arith.index_cast %parallel_loop3A_271 : i32 to index
        %parallel_loop3A_274 = arith.index_cast %parallel_loop3A_245 : i32 to index
        %parallel_loop3A_275 = arith.index_cast %parallel_loop3A_272 : i32 to index
        %parallel_loop3A_276 = arith.index_cast %parallel_loop3A_270 : i32 to index
        %parallel_loop3A_277 = tpu.vector_load %arg7[%parallel_loop3A_273, %parallel_loop3A_274, %parallel_loop3A_275, %parallel_loop3A_276] {strides = array<i32>} : memref<2x32x8x128xf32, #tpu.memory_space<vmem>>, vector<16xf32>,
        tpu.vector_store %arg7[%parallel_loop3A_273, %parallel_loop3A_274, %parallel_loop3A_275, %parallel_loop3A_276], %parallel_loop3A_268 {strides = array<i32>} : memref<2x32x8x128xf32, #tpu.memory_space<vmem>>, vector<16xf32>,
        %parallel_loop3A_278 = tpu.vector_load_idx %arg5[%broadcast_in_dim3A_37, %parallel_loop3A_267] : memref<8x2048xf32, #tpu.memory_space<vmem>>[vector<16xi32>, vector<16xi32>], vector<16xf32>,
        %parallel_loop3A_279 = arith.constant 16 : i32
        %parallel_loop3A_280 = arith.muli %parallel_loop3A_261, %parallel_loop3A_279 : i32
        %parallel_loop3A_281 = arith.constant 1 : i32
        %parallel_loop3A_282 = arith.constant 1 : i32
        %parallel_loop3A_283 = arith.index_cast %parallel_loop3A_281 : i32 to index
        %parallel_loop3A_284 = arith.index_cast %parallel_loop3A_245 : i32 to index
        %parallel_loop3A_285 = arith.index_cast %parallel_loop3A_282 : i32 to index
        %parallel_loop3A_286 = arith.index_cast %parallel_loop3A_280 : i32 to index
        %parallel_loop3A_287 = tpu.vector_load %arg7[%parallel_loop3A_283, %parallel_loop3A_284, %parallel_loop3A_285, %parallel_loop3A_286] {strides = array<i32>} : memref<2x32x8x128xf32, #tpu.memory_space<vmem>>, vector<16xf32>,
        tpu.vector_store %arg7[%parallel_loop3A_283, %parallel_loop3A_284, %parallel_loop3A_285, %parallel_loop3A_286], %parallel_loop3A_278 {strides = array<i32>} : memref<2x32x8x128xf32, #tpu.memory_space<vmem>>, vector<16xf32>,
        %parallel_loop3A_288 = tpu.vector_load_idx %arg5[%broadcast_in_dim3A_39, %parallel_loop3A_267] : memref<8x2048xf32, #tpu.memory_space<vmem>>[vector<16xi32>, vector<16xi32>], vector<16xf32>,
        %parallel_loop3A_289 = arith.constant 16 : i32
        %parallel_loop3A_290 = arith.muli %parallel_loop3A_261, %parallel_loop3A_289 : i32
        %parallel_loop3A_291 = arith.constant 1 : i32
        %parallel_loop3A_292 = arith.constant 2 : i32
        %parallel_loop3A_293 = arith.index_cast %parallel_loop3A_291 : i32 to index
        %parallel_loop3A_294 = arith.index_cast %parallel_loop3A_245 : i32 to index
        %parallel_loop3A_295 = arith.index_cast %parallel_loop3A_292 : i32 to index
        %parallel_loop3A_296 = arith.index_cast %parallel_loop3A_290 : i32 to index
        %parallel_loop3A_297 = tpu.vector_load %arg7[%parallel_loop3A_293, %parallel_loop3A_294, %parallel_loop3A_295, %parallel_loop3A_296] {strides = array<i32>} : memref<2x32x8x128xf32, #tpu.memory_space<vmem>>, vector<16xf32>,
        tpu.vector_store %arg7[%parallel_loop3A_293, %parallel_loop3A_294, %parallel_loop3A_295, %parallel_loop3A_296], %parallel_loop3A_288 {strides = array<i32>} : memref<2x32x8x128xf32, #tpu.memory_space<vmem>>, vector<16xf32>,
        %parallel_loop3A_298 = tpu.vector_load_idx %arg5[%broadcast_in_dim3A_41, %parallel_loop3A_267] : memref<8x2048xf32, #tpu.memory_space<vmem>>[vector<16xi32>, vector<16xi32>], vector<16xf32>,
        %parallel_loop3A_299 = arith.constant 16 : i32
        %parallel_loop3A_300 = arith.muli %parallel_loop3A_261, %parallel_loop3A_299 : i32
        %parallel_loop3A_301 = arith.constant 1 : i32
        %parallel_loop3A_302 = arith.constant 3 : i32
        %parallel_loop3A_303 = arith.index_cast %parallel_loop3A_301 : i32 to index
        %parallel_loop3A_304 = arith.index_cast %parallel_loop3A_245 : i32 to index
        %parallel_loop3A_305 = arith.index_cast %parallel_loop3A_302 : i32 to index
        %parallel_loop3A_306 = arith.index_cast %parallel_loop3A_300 : i32 to index
        %parallel_loop3A_307 = tpu.vector_load %arg7[%parallel_loop3A_303, %parallel_loop3A_304, %parallel_loop3A_305, %parallel_loop3A_306] {strides = array<i32>} : memref<2x32x8x128xf32, #tpu.memory_space<vmem>>, vector<16xf32>,
        tpu.vector_store %arg7[%parallel_loop3A_303, %parallel_loop3A_304, %parallel_loop3A_305, %parallel_loop3A_306], %parallel_loop3A_298 {strides = array<i32>} : memref<2x32x8x128xf32, #tpu.memory_space<vmem>>, vector<16xf32>,
        %parallel_loop3A_308 = tpu.vector_load_idx %arg5[%broadcast_in_dim3A_43, %parallel_loop3A_267] : memref<8x2048xf32, #tpu.memory_space<vmem>>[vector<16xi32>, vector<16xi32>], vector<16xf32>,
        %parallel_loop3A_309 = arith.constant 16 : i32
        %parallel_loop3A_310 = arith.muli %parallel_loop3A_261, %parallel_loop3A_309 : i32
        %parallel_loop3A_311 = arith.constant 1 : i32
        %parallel_loop3A_312 = arith.constant 4 : i32
        %parallel_loop3A_313 = arith.index_cast %parallel_loop3A_311 : i32 to index
        %parallel_loop3A_314 = arith.index_cast %parallel_loop3A_245 : i32 to index
        %parallel_loop3A_315 = arith.index_cast %parallel_loop3A_312 : i32 to index
        %parallel_loop3A_316 = arith.index_cast %parallel_loop3A_310 : i32 to index
        %parallel_loop3A_317 = tpu.vector_load %arg7[%parallel_loop3A_313, %parallel_loop3A_314, %parallel_loop3A_315, %parallel_loop3A_316] {strides = array<i32>} : memref<2x32x8x128xf32, #tpu.memory_space<vmem>>, vector<16xf32>,
        tpu.vector_store %arg7[%parallel_loop3A_313, %parallel_loop3A_314, %parallel_loop3A_315, %parallel_loop3A_316], %parallel_loop3A_308 {strides = array<i32>} : memref<2x32x8x128xf32, #tpu.memory_space<vmem>>, vector<16xf32>,
        %parallel_loop3A_318 = tpu.vector_load_idx %arg5[%broadcast_in_dim3A_45, %parallel_loop3A_267] : memref<8x2048xf32, #tpu.memory_space<vmem>>[vector<16xi32>, vector<16xi32>], vector<16xf32>,
        %parallel_loop3A_319 = arith.constant 16 : i32
        %parallel_loop3A_320 = arith.muli %parallel_loop3A_261, %parallel_loop3A_319 : i32
        %parallel_loop3A_321 = arith.constant 1 : i32
        %parallel_loop3A_322 = arith.constant 5 : i32
        %parallel_loop3A_323 = arith.index_cast %parallel_loop3A_321 : i32 to index
        %parallel_loop3A_324 = arith.index_cast %parallel_loop3A_245 : i32 to index
        %parallel_loop3A_325 = arith.index_cast %parallel_loop3A_322 : i32 to index
        %parallel_loop3A_326 = arith.index_cast %parallel_loop3A_320 : i32 to index
        %parallel_loop3A_327 = tpu.vector_load %arg7[%parallel_loop3A_323, %parallel_loop3A_324, %parallel_loop3A_325, %parallel_loop3A_326] {strides = array<i32>} : memref<2x32x8x128xf32, #tpu.memory_space<vmem>>, vector<16xf32>,
        tpu.vector_store %arg7[%parallel_loop3A_323, %parallel_loop3A_324, %parallel_loop3A_325, %parallel_loop3A_326], %parallel_loop3A_318 {strides = array<i32>} : memref<2x32x8x128xf32, #tpu.memory_space<vmem>>, vector<16xf32>,
        %parallel_loop3A_328 = tpu.vector_load_idx %arg5[%broadcast_in_dim3A_47, %parallel_loop3A_267] : memref<8x2048xf32, #tpu.memory_space<vmem>>[vector<16xi32>, vector<16xi32>], vector<16xf32>,
        %parallel_loop3A_329 = arith.constant 16 : i32
        %parallel_loop3A_330 = arith.muli %parallel_loop3A_261, %parallel_loop3A_329 : i32
        %parallel_loop3A_331 = arith.constant 1 : i32
        %parallel_loop3A_332 = arith.constant 6 : i32
        %parallel_loop3A_333 = arith.index_cast %parallel_loop3A_331 : i32 to index
        %parallel_loop3A_334 = arith.index_cast %parallel_loop3A_245 : i32 to index
        %parallel_loop3A_335 = arith.index_cast %parallel_loop3A_332 : i32 to index
        %parallel_loop3A_336 = arith.index_cast %parallel_loop3A_330 : i32 to index
        %parallel_loop3A_337 = tpu.vector_load %arg7[%parallel_loop3A_333, %parallel_loop3A_334, %parallel_loop3A_335, %parallel_loop3A_336] {strides = array<i32>} : memref<2x32x8x128xf32, #tpu.memory_space<vmem>>, vector<16xf32>,
        tpu.vector_store %arg7[%parallel_loop3A_333, %parallel_loop3A_334, %parallel_loop3A_335, %parallel_loop3A_336], %parallel_loop3A_328 {strides = array<i32>} : memref<2x32x8x128xf32, #tpu.memory_space<vmem>>, vector<16xf32>,
        %parallel_loop3A_338 = tpu.vector_load_idx %arg5[%broadcast_in_dim3A_49, %parallel_loop3A_267] : memref<8x2048xf32, #tpu.memory_space<vmem>>[vector<16xi32>, vector<16xi32>], vector<16xf32>,
        %parallel_loop3A_339 = arith.constant 16 : i32
        %parallel_loop3A_340 = arith.muli %parallel_loop3A_261, %parallel_loop3A_339 : i32
        %parallel_loop3A_341 = arith.constant 1 : i32
        %parallel_loop3A_342 = arith.constant 7 : i32
        %parallel_loop3A_343 = arith.index_cast %parallel_loop3A_341 : i32 to index
        %parallel_loop3A_344 = arith.index_cast %parallel_loop3A_245 : i32 to index
        %parallel_loop3A_345 = arith.index_cast %parallel_loop3A_342 : i32 to index
        %parallel_loop3A_346 = arith.index_cast %parallel_loop3A_340 : i32 to index
        %parallel_loop3A_347 = tpu.vector_load %arg7[%parallel_loop3A_343, %parallel_loop3A_344, %parallel_loop3A_345, %parallel_loop3A_346] {strides = array<i32>} : memref<2x32x8x128xf32, #tpu.memory_space<vmem>>, vector<16xf32>,
        tpu.vector_store %arg7[%parallel_loop3A_343, %parallel_loop3A_344, %parallel_loop3A_345, %parallel_loop3A_346], %parallel_loop3A_338 {strides = array<i32>} : memref<2x32x8x128xf32, #tpu.memory_space<vmem>>, vector<16xf32>,
      } {sc.loop_unroll_factor = 2 : i64, sc.parallel_access}
      %add3A_199 = arith.addi %mul3A_32, %add3A_169 : i32
      %dma_start3A_200 = arith.constant 1 : i32
      %dma_start3A_201 = arith.constant 0 : i32
      %dma_start3A_202 = arith.constant 0 : i32
      %dma_start3A_203 = arith.constant 0 : i32
      %dma_start3A_204 = tpu.memref_slice %arg7[%dma_start3A_200, %dma_start3A_201, %dma_start3A_202, %dma_start3A_203] : memref<2x32x8x128xf32, #tpu.memory_space<vmem>> -> memref<1x32x8x128xf32, #tpu.memory_space<vmem>>
      %dma_start3A_205 = tpu.memref_squeeze %dma_start3A_204 : memref<1x32x8x128xf32, #tpu.memory_space<vmem>> -> memref<32x8x128xf32, #tpu.memory_space<vmem>>
      %dma_start3A_206 = arith.constant 0 : i32
      %dma_start3A_207 = arith.constant 0 : i32
      %dma_start3A_208 = arith.constant 0 : i32
      %dma_start3A_209 = tpu.memref_slice %arg4[%add3A_199, %select_n3A_9, %dma_start3A_206, %dma_start3A_207, %dma_start3A_208] : memref<200x8x32x8x128xf32, #tpu.memory_space<hbm>> -> memref<1x1x32x8x128xf32, #tpu.memory_space<hbm>>
      %dma_start3A_210 = tpu.memref_squeeze %dma_start3A_209 : memref<1x1x32x8x128xf32, #tpu.memory_space<hbm>> -> memref<32x8x128xf32, #tpu.memory_space<hbm>>
      %dma_start3A_211 = arith.constant 0 : i32
      %dma_start3A_212 = arith.constant 0 : i32
      %dma_start3A_213 = arith.constant 0 : i32
      %dma_start3A_214 = tpu.memref_slice %arg4[%add3A_199, %select_n3A_9, %dma_start3A_211, %dma_start3A_212, %dma_start3A_213] : memref<200x8x32x8x128xf32, #tpu.memory_space<hbm>> -> memref<1x1x32x8x128xf32, #tpu.memory_space<hbm>>
      %dma_start3A_215 = tpu.memref_squeeze %dma_start3A_214 : memref<1x1x32x8x128xf32, #tpu.memory_space<hbm>> -> memref<32x8x128xf32, #tpu.memory_space<hbm>>
      %dma_start3A_216 = arith.constant 0 : i32
      %dma_start3A_217 = arith.constant 0 : i32
      %dma_start3A_218 = arith.constant 0 : i32
      %dma_start3A_219 = tpu.memref_slice %arg7[%dma_start3A_200, %dma_start3A_216, %dma_start3A_217, %dma_start3A_218] : memref<2x32x8x128xf32, #tpu.memory_space<vmem>> -> memref<1x32x8x128xf32, #tpu.memory_space<vmem>>
      %dma_start3A_220 = tpu.memref_squeeze %dma_start3A_219 : memref<1x32x8x128xf32, #tpu.memory_space<vmem>> -> memref<32x8x128xf32, #tpu.memory_space<vmem>>
      tpu.enqueue_dma source(%dma_start3A_220 : memref<32x8x128xf32, #tpu.memory_space<vmem>>) target(%dma_start3A_215 : memref<32x8x128xf32, #tpu.memory_space<hbm>>) target_semaphore(%arg11 : memref<!tpu.dma_semaphore, #tpu.memory_space<semaphore_mem>>)
    }
    %scan3A_68 = arith.constant 25 : i32
    %add3A_69 = arith.constant 48 : i32
    %add3A_70 = arith.addi %mul3A_32, %add3A_69 : i32
    %dma_wait3A = arith.constant 0 : i32
    %dma_wait3A_71 = arith.constant 0 : i32
    %dma_wait3A_72 = arith.constant 0 : i32
    %dma_wait3A_73 = arith.constant 0 : i32
    %dma_wait3A_74 = tpu.memref_slice %arg7[%dma_wait3A, %dma_wait3A_71, %dma_wait3A_72, %dma_wait3A_73] : memref<2x32x8x128xf32, #tpu.memory_space<vmem>> -> memref<1x32x8x128xf32, #tpu.memory_space<vmem>>
    %dma_wait3A_75 = tpu.memref_squeeze %dma_wait3A_74 : memref<1x32x8x128xf32, #tpu.memory_space<vmem>> -> memref<32x8x128xf32, #tpu.memory_space<vmem>>
    %dma_wait3A_76 = arith.constant 0 : i32
    %dma_wait3A_77 = arith.constant 0 : i32
    %dma_wait3A_78 = arith.constant 0 : i32
    %dma_wait3A_79 = tpu.memref_slice %arg4[%add3A_70, %select_n3A_9, %dma_wait3A_76, %dma_wait3A_77, %dma_wait3A_78] : memref<200x8x32x8x128xf32, #tpu.memory_space<hbm>> -> memref<1x1x32x8x128xf32, #tpu.memory_space<hbm>>
    %dma_wait3A_80 = tpu.memref_squeeze %dma_wait3A_79 : memref<1x1x32x8x128xf32, #tpu.memory_space<hbm>> -> memref<32x8x128xf32, #tpu.memory_space<hbm>>
    %dma_wait3A_81 = arith.constant 0 : i32
    %dma_wait3A_82 = arith.constant 0 : i32
    %dma_wait3A_83 = arith.constant 0 : i32
    %dma_wait3A_84 = tpu.memref_slice %arg4[%add3A_70, %select_n3A_9, %dma_wait3A_81, %dma_wait3A_82, %dma_wait3A_83] : memref<200x8x32x8x128xf32, #tpu.memory_space<hbm>> -> memref<1x1x32x8x128xf32, #tpu.memory_space<hbm>>
    %dma_wait3A_85 = tpu.memref_squeeze %dma_wait3A_84 : memref<1x1x32x8x128xf32, #tpu.memory_space<hbm>> -> memref<32x8x128xf32, #tpu.memory_space<hbm>>
    %dma_wait3A_86 = arith.constant 0 : i32
    %dma_wait3A_87 = arith.constant 0 : i32
    %dma_wait3A_88 = arith.constant 0 : i32
    %dma_wait3A_89 = tpu.memref_slice %arg7[%dma_wait3A, %dma_wait3A_86, %dma_wait3A_87, %dma_wait3A_88] : memref<2x32x8x128xf32, #tpu.memory_space<vmem>> -> memref<1x32x8x128xf32, #tpu.memory_space<vmem>>
    %dma_wait3A_90 = tpu.memref_squeeze %dma_wait3A_89 : memref<1x32x8x128xf32, #tpu.memory_space<vmem>> -> memref<32x8x128xf32, #tpu.memory_space<vmem>>
    tpu.wait_dma2 semaphore(%arg10 : memref<!tpu.dma_semaphore, #tpu.memory_space<semaphore_mem>>) src(%dma_wait3A_90 : memref<32x8x128xf32, #tpu.memory_space<vmem>>) dst(%dma_wait3A_85 : memref<32x8x128xf32, #tpu.memory_space<hbm>>)
    %add3A_91 = arith.constant 49 : i32
    %add3A_92 = arith.addi %mul3A_32, %add3A_91 : i32
    %dma_wait3A_93 = arith.constant 1 : i32
    %dma_wait3A_94 = arith.constant 0 : i32
    %dma_wait3A_95 = arith.constant 0 : i32
    %dma_wait3A_96 = arith.constant 0 : i32
    %dma_wait3A_97 = tpu.memref_slice %arg7[%dma_wait3A_93, %dma_wait3A_94, %dma_wait3A_95, %dma_wait3A_96] : memref<2x32x8x128xf32, #tpu.memory_space<vmem>> -> memref<1x32x8x128xf32, #tpu.memory_space<vmem>>
    %dma_wait3A_98 = tpu.memref_squeeze %dma_wait3A_97 : memref<1x32x8x128xf32, #tpu.memory_space<vmem>> -> memref<32x8x128xf32, #tpu.memory_space<vmem>>
    %dma_wait3A_99 = arith.constant 0 : i32
    %dma_wait3A_100 = arith.constant 0 : i32
    %dma_wait3A_101 = arith.constant 0 : i32
    %dma_wait3A_102 = tpu.memref_slice %arg4[%add3A_92, %select_n3A_9, %dma_wait3A_99, %dma_wait3A_100, %dma_wait3A_101] : memref<200x8x32x8x128xf32, #tpu.memory_space<hbm>> -> memref<1x1x32x8x128xf32, #tpu.memory_space<hbm>>
    %dma_wait3A_103 = tpu.memref_squeeze %dma_wait3A_102 : memref<1x1x32x8x128xf32, #tpu.memory_space<hbm>> -> memref<32x8x128xf32, #tpu.memory_space<hbm>>
    %dma_wait3A_104 = arith.constant 0 : i32
    %dma_wait3A_105 = arith.constant 0 : i32
    %dma_wait3A_106 = arith.constant 0 : i32
    %dma_wait3A_107 = tpu.memref_slice %arg4[%add3A_92, %select_n3A_9, %dma_wait3A_104, %dma_wait3A_105, %dma_wait3A_106] : memref<200x8x32x8x128xf32, #tpu.memory_space<hbm>> -> memref<1x1x32x8x128xf32, #tpu.memory_space<hbm>>
    %dma_wait3A_108 = tpu.memref_squeeze %dma_wait3A_107 : memref<1x1x32x8x128xf32, #tpu.memory_space<hbm>> -> memref<32x8x128xf32, #tpu.memory_space<hbm>>
    %dma_wait3A_109 = arith.constant 0 : i32
    %dma_wait3A_110 = arith.constant 0 : i32
    %dma_wait3A_111 = arith.constant 0 : i32
    %dma_wait3A_112 = tpu.memref_slice %arg7[%dma_wait3A_93, %dma_wait3A_109, %dma_wait3A_110, %dma_wait3A_111] : memref<2x32x8x128xf32, #tpu.memory_space<vmem>> -> memref<1x32x8x128xf32, #tpu.memory_space<vmem>>
    %dma_wait3A_113 = tpu.memref_squeeze %dma_wait3A_112 : memref<1x32x8x128xf32, #tpu.memory_space<vmem>> -> memref<32x8x128xf32, #tpu.memory_space<vmem>>
    tpu.wait_dma2 semaphore(%arg11 : memref<!tpu.dma_semaphore, #tpu.memory_space<semaphore_mem>>) src(%dma_wait3A_113 : memref<32x8x128xf32, #tpu.memory_space<vmem>>) dst(%dma_wait3A_108 : memref<32x8x128xf32, #tpu.memory_space<hbm>>)
    return
  }
}

</mosaic_0001>

<sc_bundles>
// kernel: kernel.3.cloned.1.call-start
scs
__scs_entry_jumppad:
0x0: {  	(pc) =	sbr.rel $0x88, $3  }
0x1: {  	(tag) =	ssettag $0x0;
	lr =	simm.s32 $0x1  }
0x2: {  	[smem:$0x3F9F] =	sst lr;
	_ =	strace $0xD0000000  }
0x3: {  	_ = 	snop  }
0x4: {  	_ = 	snop  }
0x5: {  	_ = 	snop  }
0x6: {  	_ = 	snop  }
0x7: {  	_ = 	snop  }
__scs_overlays_trampoline_lowered:
0x8: {  	[smem:$0x3FAE] =	sst s0  }
0x9: {  	[smem:$0x3FAF] =	sst s1  }
0xa: {  	[smem:$0x3FB0] =	sst s2  }
0xb: {  	[smem:$0x3FB1] =	sst s3  }
0xc: {  	[smem:$0x3FB2] =	sst s4  }
0xd: {  	[smem:$0x3FB3] =	sst s5  }
0xe: {  	[smem:$0x3FB4] =	sst s6  }
0xf: {  	[smem:$0x3FB5] =	sst s7  }
0x10: {  	[smem:$0x3FB6] =	sst s8  }
0x11: {  	[smem:$0x3FB7] =	sst s9;
	s0 =	simm.s32 @!p0 $0x0  }
0x12: {  	s1 =	sld [smem:$0x3F9D];
	s0 =	simm.s32 @p0 $0x1  }
0x13: {  	[smem:$0x3FB8] =	sst s0;
	s0 =	simm.s32 @!p1 $0x0  }
0x14: {  	s2 =	sld [smem:$0x3F9C];
	s0 =	simm.s32 @p1 $0x1  }
0x15: {  	[smem:$0x3FB9] =	sst s0;
	s0 =	simm.s32 @!p2 $0x0  }
0x16: {  	s3 =	sld [smem:$0x3FDB];
	s0 =	simm.s32 @p2 $0x1  }
0x17: {  	s4 =	simm.s32 $0x1BF5;
	[smem:$0x3FBB] =	sst s0  }
0x18: {  	s0 =	sld [smem:$0x3F9E];
	_ =	swait.ge [sflag:s4], $0x0  }
0x19: {  	s7 =	sld [smem:$0x3F9F]  }
0x1a: {  	s8 =	sadd.s32 $0xFFFFE003, lr  }
0x1b: {  	s9 =	sadd.s32 $0xFFFFFEF7, lr;
	s5 =	simm.s32 $0xFFFFFFFF;
	p2 =	slt.u32 s8, $0xFFFFF086  }
0x1c: {  	p1 =	slt.u32 s9, $0xF7A;
	s5 =	simm.s32 @!p2 $0x0  }
0x1d: {  	s5 =	simm.s32 @p1 $0x1;
	p0 =	seq.s32 s7, s2  }
0x1e: {  	s7 =	smul.u32 @!p0 $0xF7A, s2;
	p2 =	seq.s32 @!p0 s5, $0x0  }
0x1f: {  	s9 =	smul.u32 $0xF7A, s1;
	s8 =	simm.s32 @!p0 $0x1BF5;
	p2 =	por !p2, p0  }
0x20: {  	[sflag:s8] =	ssyncset.s32 @!p0 $0xFFFFF086;
	s6 =	sadd.s32 @!p0 s3, s7;
	s7 =	simm.s32 @!p0 $0x108  }
0x21: {  	s3 =	sadd.s32 s3, s9;
	s6 =	sadd.s32 @!p0 $0x88, s6;
	s7 =	simm.s32 @p2 $0x1082  }
0x22: {  	[simem:s7], [sflag:s8] =	dma.local @!p0 [hbm:s6], $0xF7A  }
0x23: {  	s9 =	sor.u32 $0xD0000000, s2;
	s6 =	simm.s32 $0x108;
	_ =	swait.ge @!p0 [sflag:s8], $0x0  }
0x24: {  	s3 =	sadd.s32 $0x88, s3;
	s6 =	simm.s32 @!p1 $0x1082;
	[sflag:s4] =	ssyncset.s32 $0xFFFFF086  }
0x25: {  	[simem:s6], [sflag:s4] =	dma.local [hbm:s3], $0xF7A  }
0x26: {  	[smem:$0x3F9F] =	sst s1;
	(tag) =	ssettag s2;
	_ =	strace s9  }
0x27: {  	s1 =	sld [smem:$0x3FAF]  }
0x28: {  	s2 =	sld [smem:$0x3FB0]  }
0x29: {  	s4 =	sld [smem:$0x3FB2]  }
0x2a: {  	p0 =	seq.s32 s5, $0x0;
	s5 =	sld [smem:$0x3FB3]  }
0x2b: {  	s6 =	sld [smem:$0x3FB4]  }
0x2c: {  	s7 =	sld [smem:$0x3FB5]  }
0x2d: {  	s3 =	simm.s32 $0x108;
	s8 =	sld [smem:$0x3FB6]  }
0x2e: {  	s3 =	simm.s32 @!p0 $0x1082;
	s9 =	sld [smem:$0x3FB7]  }
0x2f: {  	lr =	sadd.s32 s0, s3;
	s0 =	sld [smem:$0x3FAE]  }
0x30: {  	s3 =	sld [smem:$0x3FB1]  }
0x31: {  	[smem:$0x3FBA] =	sst s10  }
0x32: {  	s10 =	sld [smem:$0x3FB8];
	_ =	sdelay $0x3  }
0x33: {  	p0 =	seq.s32 s10, $0x1;
	s10 =	sld [smem:$0x3FBA];
	_ =	sdelay $0x3  }
0x34: {  	[smem:$0x3FBA] =	sst s10  }
0x35: {  	s10 =	sld [smem:$0x3FB9];
	_ =	sdelay $0x3  }
0x36: {  	p1 =	seq.s32 s10, $0x1;
	s10 =	sld [smem:$0x3FBA];
	_ =	sdelay $0x3  }
0x37: {  	[smem:$0x3FBA] =	sst s10  }
0x38: {  	s10 =	sld [smem:$0x3FBB]  }
0x39: {  	_ = 	snop;
	(pc) =	sbr.ind lr, $3  }
0x3a: {  	_ = 	snop  }
0x3b: {  	_ = 	snop  }
0x3c: {  	p2 =	seq.s32 s10, $0x1;
	s10 =	sld [smem:$0x3FBA]  }
0x3d: {  	_ =	shalt  }
0x3e: {  	_ =	shalt  }
0x3f: {  	_ =	shalt  }
0x40: {  	_ =	shalt  }
0x41: {  	_ =	shalt  }
0x42: {  	_ =	shalt  }
0x43: {  	_ =	shalt  }
0x44: {  	_ =	shalt  }
0x45: {  	_ =	shalt  }
0x46: {  	_ =	shalt  }
0x47: {  	_ =	shalt  }
0x48: {  	_ =	shalt  }
0x49: {  	_ =	shalt  }
0x4a: {  	_ =	shalt  }
0x4b: {  	_ =	shalt  }
0x4c: {  	_ =	shalt  }
0x4d: {  	_ =	shalt  }
0x4e: {  	_ =	shalt  }
0x4f: {  	_ =	shalt  }
0x50: {  	_ =	shalt  }
0x51: {  	_ =	shalt  }
0x52: {  	_ =	shalt  }
0x53: {  	_ =	shalt  }
0x54: {  	_ =	shalt  }
0x55: {  	_ =	shalt  }
0x56: {  	_ =	shalt  }
0x57: {  	_ =	shalt  }
0x58: {  	_ =	shalt  }
0x59: {  	_ =	shalt  }
0x5a: {  	_ =	shalt  }
0x5b: {  	_ =	shalt  }
0x5c: {  	_ =	shalt  }
0x5d: {  	_ =	shalt  }
0x5e: {  	_ =	shalt  }
0x5f: {  	_ =	shalt  }
0x60: {  	_ =	shalt  }
0x61: {  	_ =	shalt  }
0x62: {  	_ =	shalt  }
0x63: {  	_ =	shalt  }
0x64: {  	_ =	shalt  }
0x65: {  	_ =	shalt  }
0x66: {  	_ =	shalt  }
0x67: {  	_ =	shalt  }
0x68: {  	_ =	shalt  }
0x69: {  	_ =	shalt  }
0x6a: {  	_ =	shalt  }
0x6b: {  	_ =	shalt  }
0x6c: {  	_ =	shalt  }
0x6d: {  	_ =	shalt  }
0x6e: {  	_ =	shalt  }
0x6f: {  	_ =	shalt  }
0x70: {  	_ =	shalt  }
0x71: {  	_ =	shalt  }
0x72: {  	_ =	shalt  }
0x73: {  	_ =	shalt  }
0x74: {  	_ =	shalt  }
0x75: {  	_ =	shalt  }
0x76: {  	_ =	shalt  }
0x77: {  	_ =	shalt  }
0x78: {  	_ =	shalt  }
0x79: {  	_ =	shalt  }
0x7a: {  	_ =	shalt  }
0x7b: {  	_ =	shalt  }
0x7c: {  	_ =	shalt  }
0x7d: {  	_ =	shalt  }
0x7e: {  	_ =	shalt  }
0x7f: {  	_ =	shalt  }
0x80: {  	_ =	shalt  }
0x81: {  	_ =	shalt  }
0x82: {  	_ =	shalt  }
0x83: {  	_ =	shalt  }
0x84: {  	_ =	shalt  }
0x85: {  	_ =	shalt  }
0x86: {  	_ =	shalt  }
0x87: {  	_ =	shalt  }
.Lfunc_end0:
.L_simem_size_0:
called_computation_lowered:
.L_overlay_start_0:
0x88: {  	s2 =	sld [smem:$0x3FD9]  }
0x89: {  	s3 =	sld [smem:$0x3FFE];
	_ =	sdelay $0x1  }
0x8a: {  	s1 =	srdreg.scid  }
0x8b: {  	s0 =	sand.u32 $0x1, s1  }
0x8c: {  	s17 =	sshll.u32 s0, $0xA;
	s2 =	sadd.s32 s3, s2  }
0x8d: {  	s2 =	sadd.s32 s2, s17  }
0x8e: {  	[smem:$0x3FC6] =	sst s2  }
0x8f: {  	_ = 	snop  }
0x90: {  	s2 =	sld [smem:$0x3FD0];
	(tm) =	ssettm $0x1  }
0x91: {  	s18 =	sld [smem:$0x3FFB];
	_ =	sdelay $0x3  }
0x92: {  	_ =	strace s18  }
0x93: {  	s3 =	sld [smem:$0x3FFC];
	_ =	sdelay $0x3  }
0x94: {  	_ =	strace s3  }
0x95: {  	s3 =	sld [smem:$0x3FFD];
	_ =	sdelay $0x3  }
0x96: {  	_ =	strace s3  }
0x97: {  	_ =	strace $0x8FFFFFFF  }
0x98: {  	s19 =	sld [smem:$0x3FDB];
	_ =	sdelay $0x1  }
0x99: {  	s4 =	simm.s32 $_scs_section_size  }
0x9a: {  	s5 =	simm.s32 $_size__tile_overlayer_lowered;
	s6 =	simm.s32 $_tile_overlayer_lowered  }
0x9b: {  	s22 =	simm.s32 $0x1BFF;
	s21 =	sshll.u32 s6, $0x1;
	s3 =	sadd.s32 s4, s19  }
0x9c: {  	s7 =	simm.s32 $0x0;
	s20 =	sshll.u32 s5, $0x1;
	s5 =	sadd.s32 s21, s3  }
0x9d: {  	[timem:s7], [sflag:s22] =	dma.local [hbm:s5], s20  }
0x9e: {  	_ =	swait.ge [sflag:s22], s20  }
0x9f: {  	s4 =	ssub.s32 $0x0, s20;
	[sflag:s22] =	ssyncset.done $0x0  }
0xa0: {  	[sflag:s22] =	ssyncadd.s32 s4;
	_ =	sdelay $0x1  }
0xa1: {  	s23 =	simm.s32 $0x1B8B  }
0xa2: {  	_ =	swait.ge [sflag:s23], $0x1  }
0xa3: {  	[sflag:s23] =	ssyncset.done $0x0  }
0xa4: {  	s25 =	simm.s32 $0x1B8E;
	s24 =	sld [smem:$0x3FFE];
	[sflag:s23] =	ssyncadd.s32 $0xFFFFFFFF  }
0xa5: {  	s26 =	simm.s32 $execute0_lowered;
	[smem:$0x3FD2] =	sst s25  }
0xa6: {  	s5 =	sshll.u32 s26, $0x1;
	_ =	strace $0x80000046;
	[dreg:$0x1] =	wrdreg $0xFFFFFFFF  }
0xa7: {  	s28 =	simm.s32 $_size_execute0_lowered;
	s3 =	sadd.s32 s3, s5;
	[dreg:$0x0] =	wrdreg $0x0  }
0xa8: {  	s5 =	sshll.u32 s28, $0x1;
	[dreg:$0x2] =	wrdreg s3  }
0xa9: {  	[dreg:$0x3] =	wrdreg s5  }
0xaa: {  	[dreg:$0x4] =	wrdreg $0xC0  }
0xab: {  	_ =	task [dreg:s7], $0x5FFFF  }
0xac: {  	[dreg:$0x1] =	wrdreg $0xFFFFFFFF  }
0xad: {  	[dreg:$0x0] =	wrdreg $0x60  }
0xae: {  	[dreg:$0x2] =	wrdreg s24  }
0xaf: {  	[dreg:$0x3] =	wrdreg s2  }
0xb0: {  	[dreg:$0x4] =	wrdreg $0x9  }
0xb1: {  	_ =	task.clear_ibuf [dreg:s7], $0x5FFFF;
	_ =	strace $0x90000046  }
0xb2: {  	s29 =	simm.s32 $0x9;
	_ =	strace $0x80000048  }
0xb3: {  	_ =	swait.ge [sflag:s29], $0x1  }
0xb4: {  	[sflag:s29] =	ssyncadd.s32 $0xFFFFFFFF  }
0xb5: {  	_ =	strace $0x90000048  }
0xb6: {  	_ =	sfence  }
0xb7: {  	s30 =	sld [smem:$0x0];
	_ =	sdelay $0x2  }
0xb8: {  	s31 =	sshll.u32 s1, $0xD;
	s1 =	sshrl.u32 s1, $0x2  }
0xb9: {  	s3 =	sand.u32 $0x4000, s31;
	s1 =	sadd.s32 s1, s30  }
0xba: {  	s0 =	sor.u32 s3, s0;
	s1 =	sshll.u32 s1, $0x11  }
0xbb: {  	s0 =	sor.u32 s1, s0  }
0xbc: {  	s0 =	sadd.s32 $0x8F2B, s0  }
0xbd: {  	[sflag:s0] =	ssyncadd.remote.s32 $0x1  }
0xbe: {  	_ =	sfence.sel $0xFFFF  }
0xbf: {  	[dreg:$0x0] =	wrdreg $0xFFFFFFFF;
	(pc) =	sbr.abs _section_cstart, $3  }
0xc0: {  	[dreg:$0x1] =	wrdreg $0xFFFFFFFF  }
0xc1: {  	_ =	task.clear_ibuf [dreg:s7], $0x2FFFF;
	_ =	strace $0x9FFFFFFF  }
0xc2: {  	(tm) =	ssettm $0x7FFFFFFF  }
0xc3: {  	_ =	shalt  }
tec
execute0_lowered:
.L_overlay_start_1:
0x0: {  	(tag) =	ssettag $0x1  }
0x1: {  	s0 =	rddreg [dreg:$0x0]  }
0x2: {  	s15 =	rddreg [dreg:$0x1];
	s3 =	simm.s32 $0x0;
	s2 =	stileid.u32  }
0x3: {  	s1 =	srdreg.scid;
	s14 =	simm.s32 $0x1;
	s16 =	simm.s32 $0x2  }
0x4: {  	[smem:$0x7FF] =	sst s3;
	s5 =	sshll.u32 s2, $0x1;
	s28 =	sshrl.u32 s2, $0x2  }
0x5: {  	s1 =	sand.u32 $0x1, s1;
	s5 =	sand.u32 $0x6, s5;
	s9 =	smul.u32 $0x6400, s28  }
0x6: {  	s4 =	sadd.s32 $0x4400, s0;
	s2 =	smul.u32 $0x32, s28;
	s6 =	sor.u32 s1, s5  }
0x7: {  	_ =	strace $0x80000047;
	s1 =	ssub.s32 $0x2, s1;
	s7 =	sshll.u32 s6, $0xB  }
0x8: {  	s8 =	sshrl.u32 s1, $0x1;
	s29 =	sadd.s32 s4, s9;
	[dreg:$0x3] =	wrdreg s2  }
0x9: {  	s30 =	sadd.s32 $0x2, s2;
	s0 =	sadd.s32 s7, s0;
	[dreg:$0x5] =	wrdreg s29  }
0xa: {  	s1 =	ssub.s32 s1, s8;
	[dreg:$0x6] =	wrdreg s30;
	s0 =	sadd.s32 $0x400, s0  }
0xb: {  	s17 =	simm.s32 $0x4;
	s31 =	smax.u32 s1, $0x1;
	[dreg:$0x4] =	wrdreg s0  }
0xc: {  	s8 =	sshll.u32 s6, $0xF;
	s1 =	simm.s32 $0x0;
	[dreg:$0x7] =	wrdreg s31  }
.LBB2_1:
0xd: {  	[dreg:$0x8] =	wrdreg s1  }
0xe: {  	s0 =	rddreg [dreg:$0x4];
	s29 =	simm.s32 $0x5  }
0xf: {  	[tilespmem:s3], [sflag:$0x5] =	stream.linear.gather [hbm4b:s0+s3], $0x4000, $0x38;
	[tilespmem:$0x16000] =	vst v63  }
0x10: {  	_ =	swait.ge [sflag:s29], $0x4000  }
0x11: {  	s31 =	simm.s32 $0x4000;
	[sflag:s29] =	ssyncset.done $0x0  }
0x12: {  	s21 =	simm.s32 $0x0;
	s30 =	rddreg [dreg:$0x5];
	[sflag:s29] =	ssyncadd.s32 $0xFFFFC000  }
0x13: {  	[tilespmem:s31], [sflag:$0x1] =	stream.linear.gather [hbm4b:s30+s3], $0x1000, $0x38;
	[tilespmem:$0x16000] =	vst v63  }
.LBB2_2:
0x14: {  	s23 =	sshll.u32 s21, $0x1;
	s0 =	rddreg [dreg:$0x3]  }
0x15: {  	s24 =	sadd.s32 s0, s23  }
0x16: {  	s22 =	sadd.s32 $0x1, s24  }
0x17: {  	s25 =	sshll.u32 s22, $0x9  }
0x18: {  	s1 =	simm.s32 $0x5000;
	s0 =	sadd.s32 s4, s25  }
0x19: {  	[tilespmem:s1], [sflag:$0x2] =	stream.linear.gather [hbm4b:s0+s3], $0x1000, $0x38;
	[tilespmem:$0x16000] =	vst v63  }
0x1a: {  	_ =	swait.ge [sflag:s14], $0x1000  }
0x1b: {  	p0 =	seq.s32 s21, $0x0;
	[sflag:s14] =	ssyncset.done $0x0  }
0x1c: {  	s0 =	simm.s32 @!p0 $0x3;
	[sflag:s14] =	ssyncadd.s32 $0xFFFFF000  }
0x1d: {  	_ =	swait.ge @!p0 [sflag:s0], $0x8000  }
0x1e: {  	[sflag:s0] =	ssyncset.done @!p0 $0x0  }
0x1f: {  	s26 =	simm.s32 $0x4010;
	[sflag:s0] =	ssyncadd.s32 @!p0 $0xFFFF8000  }
0x20: {  	v1 =	vld [tilespmem:s26+$0x0];
	_ =	sdelay $0x1  }
0x21: {  	v2 =	vld [tilespmem:s26+$0xFFFFFFF0];
	_ =	sdelay $0x5  }
0x22: {  	v0 =	vld.idx.msk [tilespmem:v1+s3+$0x0], $0xffff  }
0x23: {  	s29 =	simm.s32 $0x0;
	v4 =	vadd.s32 $0x800, v1  }
0x24: {  	s30 =	simm.s32 $0x10;
	s0 =	sand.u32 $0x7C00, s29;
	v3 =	vld.idx.msk [tilespmem:v2+s3+$0x0], $0xffff  }
0x25: {  	s1 =	sand.u32 $0x70, s30;
	s0 =	sadd.s32 $0x6000, s0;
	v5 =	vadd.s32 $0x800, v2  }
0x26: {  	s6 =	simm.s32 $0x0;
	s2 =	simm.s32 $0x4030;
	s31 =	sor.u32 s1, s0  }
0x27: {  	s7 =	sand.u32 $0x60, s6;
	v7 =	vld [tilespmem:s2+$0x0];
	[tilespmem:s31+$0x0] =	vst v0  }
0x28: {  	s25 =	sor.u32 s7, s0;
	v0 =	vld.idx.msk [tilespmem:v4+s3+$0x0], $0xffff  }
0x29: {  	[tilespmem:s25+$0x0] =	vst v3;
	v4 =	vadd.s32 $0x1000, v1  }
0x2a: {  	v3 =	vld.idx.msk [tilespmem:v5+s3+$0x0], $0xffff  }
0x2b: {  	v6 =	vadd.s32 $0x1000, v2;
	v5 =	vld [tilespmem:s2+$0xFFFFFFF0]  }
0x2c: {  	s20 =	simm.s32 $0x4070  }
0x2d: {  	v19 =	vld [tilespmem:s20+$0xFFFFFFF0];
	[tilespmem:s31+$0x80] =	vst v0  }
0x2e: {  	v0 =	vld.idx.msk [tilespmem:v4+s3+$0x0], $0xffff  }
0x2f: {  	v8 =	vld.idx.msk [tilespmem:v7+s3+$0x0], $0xffff;
	[tilespmem:s25+$0x80] =	vst v3;
	v3 =	vadd.s32 $0x1800, v1  }
0x30: {  	s5 =	simm.s32 $0x100;
	v4 =	vld.idx.msk [tilespmem:v6+s3+$0x0], $0xffff  }
0x31: {  	s10 =	simm.s32 $0x4050;
	s0 =	sand.u32 $0x7C00, s5;
	s7 =	simm.s32 $0x30;
	v10 =	vadd.s32 $0x800, v7  }
0x32: {  	v12 =	vld [tilespmem:s10+$0xFFFFFFF0];
	s0 =	sadd.s32 $0x6000, s0;
	s1 =	sand.u32 $0x70, s7;
	v6 =	vadd.s32 $0x1800, v2  }
0x33: {  	s26 =	sor.u32 s1, s0;
	v9 =	vld.idx.msk [tilespmem:v5+s3+$0x0], $0xffff;
	[tilespmem:s31+$0x100] =	vst v0  }
0x34: {  	s9 =	simm.s32 $0x20;
	s11 =	simm.s32 $0x200;
	[tilespmem:s26+$0x0] =	vst v8;
	v11 =	vadd.s32 $0x800, v5;
	v3 =	vld.idx.msk [tilespmem:v3+s3+$0x0], $0xffff  }
0x35: {  	s12 =	simm.s32 $0x50;
	s13 =	simm.s32 $0x40;
	s7 =	sand.u32 $0x60, s9;
	v21 =	vld.idx.msk [tilespmem:v19+s3+$0x0], $0xffff;
	[tilespmem:s25+$0x100] =	vst v4;
	v4 =	vadd.s32 $0x2000, v1  }
0x36: {  	s18 =	sand.u32 $0x70, s12;
	s28 =	sor.u32 s7, s0;
	s0 =	sand.u32 $0x7C00, s11;
	v8 =	vld.idx.msk [tilespmem:v10+s3+$0x0], $0xffff  }
0x37: {  	s19 =	sand.u32 $0x60, s13;
	s7 =	simm.s32 $0x300;
	s9 =	sadd.s32 $0x6000, s0;
	v25 =	vadd.s32 $0x800, v19;
	v6 =	vld.idx.msk [tilespmem:v6+s3+$0x0], $0xffff  }
0x38: {  	s30 =	simm.s32 $0x60;
	s29 =	sand.u32 $0x7C00, s7;
	s0 =	sor.u32 s18, s9;
	v10 =	vadd.s32 $0x2000, v2;
	v0 =	vld [tilespmem:s10+$0x0];
	[tilespmem:s28+$0x0] =	vst v9  }
0x39: {  	s1 =	sor.u32 s19, s9;
	s11 =	sadd.s32 $0x6000, s29;
	s9 =	sand.u32 $0x60, s30;
	v9 =	vld.idx.msk [tilespmem:v11+s3+$0x0], $0xffff;
	[tilespmem:s31+$0x180] =	vst v3;
	v3 =	vadd.s32 $0x1000, v7  }
0x3a: {  	s9 =	sor.u32 s9, s11;
	v11 =	vadd.s32 $0x1000, v5;
	v4 =	vld.idx.msk [tilespmem:v4+s3+$0x0], $0xffff  }
0x3b: {  	v13 =	vadd.s32 $0x2800, v1;
	[tilespmem:s9+$0x0] =	vst v21  }
0x3c: {  	v21 =	vld.idx.msk [tilespmem:v25+s3+$0x0], $0xffff;
	[tilespmem:s25+$0x180] =	vst v6  }
0x3d: {  	[tilespmem:s26+$0x80] =	vst v8;
	v6 =	vld.idx.msk [tilespmem:v10+s3+$0x0], $0xffff  }
0x3e: {  	v8 =	vadd.s32 $0x2800, v2;
	[tilespmem:s28+$0x80] =	vst v9;
	v3 =	vld.idx.msk [tilespmem:v3+s3+$0x0], $0xffff  }
0x3f: {  	v10 =	vadd.s32 $0x1800, v7;
	v9 =	vld.idx.msk [tilespmem:v11+s3+$0x0], $0xffff;
	[tilespmem:s31+$0x200] =	vst v4  }
0x40: {  	v4 =	vadd.s32 $0x1800, v5;
	v11 =	vld.idx.msk [tilespmem:v13+s3+$0x0], $0xffff  }
0x41: {  	v14 =	vadd.s32 $0x3000, v1;
	v13 =	vld.idx.msk [tilespmem:v0+s3+$0x0], $0xffff  }
0x42: {  	v15 =	vadd.s32 $0x800, v0;
	[tilespmem:s25+$0x200] =	vst v6;
	v6 =	vld.idx.msk [tilespmem:v12+s3+$0x0], $0xffff  }
0x43: {  	v16 =	vadd.s32 $0x800, v12;
	[tilespmem:s26+$0x100] =	vst v3;
	v3 =	vld.idx.msk [tilespmem:v8+s3+$0x0], $0xffff  }
0x44: {  	[tilespmem:s28+$0x100] =	vst v9;
	v8 =	vld.idx.msk [tilespmem:v10+s3+$0x0], $0xffff  }
0x45: {  	v9 =	vadd.s32 $0x2000, v7;
	v4 =	vld.idx.msk [tilespmem:v4+s3+$0x0], $0xffff;
	[tilespmem:s31+$0x280] =	vst v11  }
0x46: {  	[tilespmem:s0+$0x0] =	vst v13;
	v11 =	vadd.s32 $0x2000, v5;
	v10 =	vld.idx.msk [tilespmem:v14+s3+$0x0], $0xffff  }
0x47: {  	[tilespmem:s1+$0x0] =	vst v6;
	v6 =	vld.idx.msk [tilespmem:v15+s3+$0x0], $0xffff;
	v14 =	vadd.s32 $0x3800, v1  }
0x48: {  	v13 =	vld.idx.msk [tilespmem:v16+s3+$0x0], $0xffff;
	v15 =	vadd.s32 $0x1000, v0  }
0x49: {  	v1 =	vld [tilespmem:s20+$0x0];
	[tilespmem:s26+$0x180] =	vst v8;
	v8 =	vadd.s32 $0x1000, v12  }
0x4a: {  	v16 =	vadd.s32 $0x3000, v2;
	[tilespmem:s28+$0x180] =	vst v4;
	v9 =	vld.idx.msk [tilespmem:v9+s3+$0x0], $0xffff  }
0x4b: {  	v4 =	vld.idx.msk [tilespmem:v11+s3+$0x0], $0xffff;
	v11 =	vadd.s32 $0x2800, v7;
	[tilespmem:s31+$0x300] =	vst v10  }
0x4c: {  	[tilespmem:s0+$0x80] =	vst v6;
	v6 =	vld.idx.msk [tilespmem:v14+s3+$0x0], $0xffff  }
0x4d: {  	[tilespmem:s1+$0x80] =	vst v13;
	v13 =	vadd.s32 $0x2800, v5;
	v10 =	vld.idx.msk [tilespmem:v15+s3+$0x0], $0xffff  }
0x4e: {  	[tilespmem:s25+$0x280] =	vst v3;
	v3 =	vld.idx.msk [tilespmem:v8+s3+$0x0], $0xffff;
	v8 =	vadd.s32 $0x1800, v0  }
0x4f: {  	v17 =	vadd.s32 $0x3800, v2;
	v14 =	vadd.s32 $0x1800, v12;
	[tilespmem:s26+$0x200] =	vst v9;
	v9 =	vld.idx.msk [tilespmem:v16+s3+$0x0], $0xffff  }
0x50: {  	v22 =	vadd.s32 $0x3000, v7;
	v2 =	vadd.s32 $0x3800, v5;
	v23 =	vadd.s32 $0x800, v1;
	[tilespmem:s28+$0x200] =	vst v4;
	v15 =	vld.idx.msk [tilespmem:v11+s3+$0x0], $0xffff  }
0x51: {  	v20 =	vld.idx.msk [tilespmem:v1+s3+$0x0], $0xffff;
	v4 =	vadd.s32 $0x3000, v5;
	v5 =	vadd.s32 $0x3800, v19;
	v11 =	vadd.s32 $0x2000, v12;
	[tilespmem:s31+$0x380] =	vst v6  }
0x52: {  	v24 =	vld.idx.msk [tilespmem:v13+s3+$0x0], $0xffff;
	v13 =	vadd.s32 $0x1800, v19;
	[tilespmem:s0+$0x100] =	vst v10;
	v6 =	vadd.s32 $0x3000, v12;
	v10 =	vadd.s32 $0x2800, v19  }
0x53: {  	s10 =	simm.s32 $0x70;
	[tilespmem:s1+$0x100] =	vst v3;
	v16 =	vld.idx.msk [tilespmem:v8+s3+$0x0], $0xffff;
	v8 =	vadd.s32 $0x2800, v12;
	v3 =	vadd.s32 $0x3800, v12;
	v12 =	vadd.s32 $0x1000, v19  }
0x54: {  	s31 =	sand.u32 $0x70, s10;
	v18 =	vld.idx.msk [tilespmem:v14+s3+$0x0], $0xffff;
	[tilespmem:s25+$0x300] =	vst v9;
	v14 =	vadd.s32 $0x2000, v19;
	v9 =	vadd.s32 $0x3000, v19;
	v19 =	vadd.s32 $0x2000, v0  }
0x55: {  	s6 =	sor.u32 s31, s11;
	[tilespmem:s26+$0x280] =	vst v15;
	v17 =	vld.idx.msk [tilespmem:v17+s3+$0x0], $0xffff  }
0x56: {  	[tilespmem:s6+$0x0] =	vst v20;
	v15 =	vld.idx.msk [tilespmem:v22+s3+$0x0], $0xffff  }
0x57: {  	s12 =	simm.s32 $0x4090;
	v7 =	vadd.s32 $0x3800, v7;
	s11 =	simm.s32 $0x6;
	v20 =	vld.idx.msk [tilespmem:v23+s3+$0x0], $0xffff;
	[tilespmem:s28+$0x280] =	vst v24  }
.LBB2_3:
0x58: {  	v22 =	vld [tilespmem:s12+$0x0];
	v23 =	vadd.s32 $0x1000, v1;
	[tilespmem:s0+$0x180] =	vst v16  }
0x59: {  	s11 =	sadd.s32 $0x2, s11;
	[tilespmem:s1+$0x180] =	vst v18;
	v16 =	vld.idx.msk [tilespmem:v19+s3+$0x0], $0xffff  }
0x5a: {  	p1 =	slt.u32 s11, $0xFE;
	v18 =	vld [tilespmem:s12+$0xFFFFFFF0];
	[tilespmem:s25+$0x380] =	vst v17;
	s25 =	smov.u32 s28;
	s28 =	smov.u32 s1  }
0x5b: {  	v19 =	vadd.s32 $0x2800, v0;
	s1 =	smov.u32 s9;
	v17 =	vld.idx.msk [tilespmem:v11+s3+$0x0], $0xffff;
	[tilespmem:s26+$0x300] =	vst v15;
	v11 =	vmov v14  }
0x5c: {  	[tilespmem:s6+$0x80] =	vst v20;
	v7 =	vld.idx.msk [tilespmem:v7+s3+$0x0], $0xffff  }
0x5d: {  	[tilespmem:s1+$0x80] =	vst v21;
	v15 =	vld.idx.msk [tilespmem:v23+s3+$0x0], $0xffff  }
0x5e: {  	v20 =	vld.idx.msk [tilespmem:v12+s3+$0x0], $0xffff  }
0x5f: {  	v23 =	vadd.s32 $0x1800, v1;
	v21 =	vadd.s32 $0x800, v18;
	v12 =	vadd.s32 $0x1000, v18;
	[tilespmem:s0+$0x200] =	vst v16;
	v24 =	vld.idx.msk [tilespmem:v4+s3+$0x0], $0xffff;
	v4 =	vmovc v6;
	v6 =	vmovc v9  }
0x60: {  	v25 =	vadd.s32 $0x1800, v18;
	v14 =	vadd.s32 $0x2000, v18;
	v16 =	vadd.s32 $0x2800, v18;
	v26 =	vld.idx.msk [tilespmem:v19+s3+$0x0], $0xffff  }
0x61: {  	v9 =	vadd.s32 $0x3000, v18;
	v27 =	vadd.s32 $0x3800, v18;
	v28 =	vld.idx.msk [tilespmem:v22+s3+$0x0], $0xffff;
	[tilespmem:s28+$0x200] =	vst v17  }
0x62: {  	v30 =	vadd.s32 $0x3000, v0;
	v29 =	vld.idx.msk [tilespmem:v18+s3+$0x0], $0xffff;
	[tilespmem:s26+$0x380] =	vst v7;
	s26 =	smov.u32 s0;
	s0 =	smov.u32 s6  }
0x63: {  	s7 =	sadd.s32 $0x100, s7;
	s10 =	sadd.s32 $0x20, s10;
	v7 =	vadd.s32 $0x800, v22;
	[tilespmem:s0+$0x100] =	vst v15;
	v31 =	vld.idx.msk [tilespmem:v8+s3+$0x0], $0xffff;
	v8 =	vmov v10;
	v10 =	vmov v16  }
0x64: {  	s9 =	sadd.s32 $0xFFFFFFF0, s10;
	s6 =	sand.u32 $0x7C00, s7;
	[tilespmem:s1+$0x100] =	vst v20;
	v16 =	vld.idx.msk [tilespmem:v23+s3+$0x0], $0xffff  }
.Ltmp0:
0x65: {  	s13 =	sadd.s32 $0x6000, s6;
	s6 =	sand.u32 $0x70, s10;
	v18 =	vld.idx.msk [tilespmem:v13+s3+$0x0], $0xffff;
	[tilespmem:s25+$0x300] =	vst v24;
	(pc) =	sbr.rel @p1 .LBB2_3-.Ltmp0, $4  }
0x66: {  	s9 =	sand.u32 $0x60, s9;
	v19 =	vadd.s32 $0x2000, v1;
	s6 =	sor.u32 s6, s13;
	v13 =	vmovc v25;
	[tilespmem:s26+$0x280] =	vst v26;
	v17 =	vld.idx.msk [tilespmem:v2+s3+$0x0], $0xffff;
	v2 =	vmovc v3;
	v3 =	vmov v5;
	v5 =	vmov v27  }
0x67: {  	s9 =	sor.u32 s9, s13;
	[tilespmem:s6+$0x0] =	vst v28;
	v15 =	vld.idx.msk [tilespmem:v30+s3+$0x0], $0xffff  }
0x68: {  	[tilespmem:s9+$0x0] =	vst v29;
	v20 =	vld.idx.msk [tilespmem:v7+s3+$0x0], $0xffff  }
0x69: {  	s12 =	sadd.s32 $0x20, s12;
	v7 =	vadd.s32 $0x3800, v0;
	v0 =	vmov v1;
	v1 =	vmov v22;
	v21 =	vld.idx.msk [tilespmem:v21+s3+$0x0], $0xffff;
	[tilespmem:s28+$0x280] =	vst v31  }
0x6a: {  	v22 =	vadd.s32 $0x1000, v1;
	_ =	sdelay $0x3  }
0x6b: {  	[tilespmem:s6+$0x80] =	vst v20  }
0x6c: {  	[tilespmem:s9+$0x80] =	vst v21;
	v20 =	vld.idx.msk [tilespmem:v22+s3+$0x0], $0xffff  }
0x6d: {  	v53 =	vadd.s32 $0x1800, v1;
	v12 =	vld.idx.msk [tilespmem:v12+s3+$0x0], $0xffff;
	_ =	sdelay $0x3  }
0x6e: {  	[tilespmem:s6+$0x100] =	vst v20  }
0x6f: {  	[tilespmem:s9+$0x100] =	vst v12;
	v54 =	vld.idx.msk [tilespmem:v53+s3+$0x0], $0xffff  }
0x70: {  	v55 =	vadd.s32 $0x2000, v1;
	v13 =	vld.idx.msk [tilespmem:v13+s3+$0x0], $0xffff;
	_ =	sdelay $0x1  }
0x71: {  	[tilespmem:s0+$0x180] =	vst v16  }
0x72: {  	[tilespmem:s1+$0x180] =	vst v18;
	v16 =	vld.idx.msk [tilespmem:v19+s3+$0x0], $0xffff  }
0x73: {  	v56 =	vadd.s32 $0x2800, v0;
	v11 =	vld.idx.msk [tilespmem:v11+s3+$0x0], $0xffff;
	[tilespmem:s6+$0x180] =	vst v54  }
0x74: {  	[tilespmem:s9+$0x180] =	vst v13;
	v12 =	vld.idx.msk [tilespmem:v55+s3+$0x0], $0xffff  }
0x75: {  	v57 =	vadd.s32 $0x2800, v1;
	v13 =	vld.idx.msk [tilespmem:v14+s3+$0x0], $0xffff;
	_ =	sdelay $0x1  }
0x76: {  	[tilespmem:s0+$0x200] =	vst v16  }
0x77: {  	[tilespmem:s1+$0x200] =	vst v11;
	v16 =	vld.idx.msk [tilespmem:v56+s3+$0x0], $0xffff  }
0x78: {  	v58 =	vadd.s32 $0x3000, v0;
	v8 =	vld.idx.msk [tilespmem:v8+s3+$0x0], $0xffff;
	[tilespmem:s6+$0x200] =	vst v12  }
0x79: {  	[tilespmem:s9+$0x200] =	vst v13;
	v12 =	vld.idx.msk [tilespmem:v57+s3+$0x0], $0xffff  }
0x7a: {  	v59 =	vadd.s32 $0x3000, v1;
	v10 =	vld.idx.msk [tilespmem:v10+s3+$0x0], $0xffff  }
0x7b: {  	[tilespmem:s25+$0x380] =	vst v17  }
0x7c: {  	v4 =	vld.idx.msk [tilespmem:v4+s3+$0x0], $0xffff;
	[tilespmem:s0+$0x280] =	vst v16  }
0x7d: {  	[tilespmem:s1+$0x280] =	vst v8;
	v11 =	vld.idx.msk [tilespmem:v58+s3+$0x0], $0xffff  }
0x7e: {  	v60 =	vadd.s32 $0x3800, v0;
	v6 =	vld.idx.msk [tilespmem:v6+s3+$0x0], $0xffff;
	[tilespmem:s6+$0x280] =	vst v12  }
0x7f: {  	[tilespmem:s9+$0x280] =	vst v10;
	v61 =	vld.idx.msk [tilespmem:v59+s3+$0x0], $0xffff  }
0x80: {  	v62 =	vadd.s32 $0x3800, v1;
	[tilespmem:s26+$0x300] =	vst v15;
	v9 =	vld.idx.msk [tilespmem:v9+s3+$0x0], $0xffff  }
0x81: {  	v7 =	vld.idx.msk [tilespmem:v7+s3+$0x0], $0xffff;
	[tilespmem:s28+$0x300] =	vst v4  }
0x82: {  	v2 =	vld.idx.msk [tilespmem:v2+s3+$0x0], $0xffff;
	[tilespmem:s0+$0x300] =	vst v11  }
0x83: {  	[tilespmem:s1+$0x300] =	vst v6;
	v0 =	vld.idx.msk [tilespmem:v60+s3+$0x0], $0xffff  }
0x84: {  	v3 =	vld.idx.msk [tilespmem:v3+s3+$0x0], $0xffff;
	[tilespmem:s6+$0x300] =	vst v61  }
0x85: {  	[tilespmem:s9+$0x300] =	vst v9;
	v1 =	vld.idx.msk [tilespmem:v62+s3+$0x0], $0xffff  }
0x86: {  	[tilespmem:s26+$0x380] =	vst v7;
	v63 =	vld.idx.msk [tilespmem:v5+s3+$0x0], $0xffff  }
0x87: {  	p1 =	sne.s32 s21, $0x18;
	[tilespmem:s28+$0x380] =	vst v2  }
.Ltmp1:
0x88: {  	s30 =	sshll.u32 s24, $0x12;
	[tilespmem:s0+$0x380] =	vst v0;
	(pc) =	sbr.rel @p1 .LBB2_6-.Ltmp1, $4  }
0x89: {  	[tilespmem:s1+$0x380] =	vst v3;
	s0 =	sor.u32 s8, s30  }
0x8a: {  	s0 =	sshrl.u32 s0, $0x3;
	[tilespmem:s6+$0x380] =	vst v1  }
0x8b: {  	s31 =	simm.s32 $0x6000;
	s0 =	sadd.s32 s15, s0;
	[tilespmem:s9+$0x380] =	vst v63  }
0x8c: {  	[hbm4b:s0+s3] =	stream.linear.scatter [tilespmem:s31], [sflag:$0x3], $0x8000, $0x38;
	[tilespmem:$0x16000] =	vst v63  }
.Ltmp2:
0x8d: {  	(pc) =	sbr.rel .LBB2_7-.Ltmp2, $4  }
0x8e: {  	_ = 	snop  }
0x8f: {  	_ =	swait.ge [sflag:s16], $0x1000  }
0x90: {  	[sflag:s16] =	ssyncset.done $0x0  }
0x91: {  	[sflag:s16] =	ssyncadd.s32 $0xFFFFF000  }
.LBB2_6:
0x92: {  	s0 =	rddreg [dreg:$0x6]  }
0x93: {  	s0 =	sadd.s32 s23, s0  }
0x94: {  	s0 =	sshll.u32 s0, $0x9  }
.Ltmp3:
0x95: {  	s1 =	simm.s32 $0x4000;
	s0 =	sadd.s32 s4, s0;
	(pc) =	sbr.rel @p0 .LBB2_8-.Ltmp3, $4  }
0x96: {  	[tilespmem:s1], [sflag:$0x1] =	stream.linear.gather [hbm4b:s0+s3], $0x1000, $0x38;
	[tilespmem:$0x16000] =	vst v63  }
0x97: {  	_ =	swait.ge [sflag:s16], $0x1000  }
0x98: {  	[sflag:s16] =	ssyncset.done $0x0  }
0x99: {  	[sflag:s16] =	ssyncadd.s32 $0xFFFFF000  }
.LBB2_7:
0x9a: {  	_ =	swait.ge [sflag:s17], $0x8000  }
0x9b: {  	[sflag:s17] =	ssyncset.done $0x0  }
0x9c: {  	[sflag:s17] =	ssyncadd.s32 $0xFFFF8000  }
.LBB2_8:
0x9d: {  	s0 =	simm.s32 $0x5010  }
0x9e: {  	v0 =	vld [tilespmem:s0+$0x0];
	_ =	sdelay $0x7  }
0x9f: {  	v1 =	vld.idx.msk [tilespmem:v0+s3+$0x0], $0xffff  }
0xa0: {  	s1 =	simm.s32 $0x0;
	v3 =	vadd.s32 $0x800, v0  }
0xa1: {  	s15 =	simm.s32 $0x10;
	v2 =	vld [tilespmem:s0+$0xFFFFFFF0];
	s1 =	sand.u32 $0x7C00, s1  }
0xa2: {  	s0 =	sand.u32 $0x70, s15;
	s7 =	sadd.s32 $0xE000, s1  }
0xa3: {  	s18 =	simm.s32 $0x5030;
	s6 =	sor.u32 s0, s7  }
0xa4: {  	[tilespmem:s6+$0x0] =	vst v1;
	v1 =	vld [tilespmem:s18+$0x0]  }
0xa5: {  	v4 =	vld.idx.msk [tilespmem:v3+s3+$0x0], $0xffff  }
0xa6: {  	v5 =	vadd.s32 $0x1000, v0;
	_ =	sdelay $0x1  }
0xa7: {  	s9 =	sadd.s32 $0xE080, s1  }
0xa8: {  	s10 =	sor.u32 s0, s9;
	v6 =	vld.idx.msk [tilespmem:v2+s3+$0x0], $0xffff  }
0xa9: {  	v7 =	vadd.s32 $0x800, v2;
	[tilespmem:s10+$0x0] =	vst v4  }
0xaa: {  	s11 =	simm.s32 $0x0;
	v4 =	vld.idx.msk [tilespmem:v5+s3+$0x0], $0xffff  }
0xab: {  	s6 =	sand.u32 $0x60, s11;
	v3 =	vld [tilespmem:s18+$0xFFFFFFF0];
	v5 =	vadd.s32 $0x1800, v0  }
0xac: {  	s7 =	sor.u32 s6, s7;
	v8 =	vld.idx.msk [tilespmem:v1+s3+$0x0], $0xffff  }
0xad: {  	s23 =	simm.s32 $0x100;
	s19 =	sadd.s32 $0xE100, s1;
	[tilespmem:s7+$0x0] =	vst v6;
	v9 =	vadd.s32 $0x800, v1  }
0xae: {  	s24 =	simm.s32 $0x30;
	s20 =	sor.u32 s0, s19;
	s7 =	sand.u32 $0x7C00, s23;
	v6 =	vld.idx.msk [tilespmem:v7+s3+$0x0], $0xffff  }
0xaf: {  	s31 =	sand.u32 $0x70, s24;
	v7 =	vadd.s32 $0x1000, v2;
	s12 =	sadd.s32 $0xE000, s7;
	[tilespmem:s20+$0x0] =	vst v4  }
0xb0: {  	s25 =	sor.u32 s31, s12;
	v4 =	vld.idx.msk [tilespmem:v5+s3+$0x0], $0xffff  }
0xb1: {  	v5 =	vadd.s32 $0x2000, v0;
	[tilespmem:s25+$0x0] =	vst v8  }
0xb2: {  	s9 =	sor.u32 s6, s9;
	v8 =	vld.idx.msk [tilespmem:v9+s3+$0x0], $0xffff  }
0xb3: {  	s26 =	sadd.s32 $0xE180, s1;
	[tilespmem:s9+$0x0] =	vst v6;
	v10 =	vld.idx.msk [tilespmem:v3+s3+$0x0], $0xffff;
	v9 =	vadd.s32 $0x1000, v1  }
0xb4: {  	s2 =	simm.s32 $0x5050;
	s13 =	sor.u32 s0, s26;
	v11 =	vadd.s32 $0x800, v3;
	v7 =	vld.idx.msk [tilespmem:v7+s3+$0x0], $0xffff  }
0xb5: {  	s5 =	simm.s32 $0x20;
	s15 =	sadd.s32 $0xE080, s7;
	v6 =	vld [tilespmem:s2+$0x0];
	[tilespmem:s13+$0x0] =	vst v4  }
0xb6: {  	v12 =	vadd.s32 $0x1800, v2;
	s18 =	sor.u32 s31, s15;
	s10 =	sand.u32 $0x60, s5;
	v5 =	vld.idx.msk [tilespmem:v5+s3+$0x0], $0xffff  }
0xb7: {  	v13 =	vadd.s32 $0x2800, v0;
	s12 =	sor.u32 s10, s12;
	v4 =	vld [tilespmem:s2+$0xFFFFFFF0];
	[tilespmem:s18+$0x0] =	vst v8  }
0xb8: {  	s19 =	sor.u32 s6, s19;
	[tilespmem:s12+$0x0] =	vst v10;
	v8 =	vld.idx.msk [tilespmem:v9+s3+$0x0], $0xffff  }
0xb9: {  	s11 =	sadd.s32 $0xE200, s1;
	[tilespmem:s19+$0x0] =	vst v7;
	v7 =	vld.idx.msk [tilespmem:v11+s3+$0x0], $0xffff;
	v9 =	vadd.s32 $0x1800, v1  }
0xba: {  	s20 =	sor.u32 s0, s11;
	v10 =	vadd.s32 $0x1000, v3  }
0xbb: {  	s12 =	sadd.s32 $0xE100, s7;
	v11 =	vld.idx.msk [tilespmem:v12+s3+$0x0], $0xffff;
	[tilespmem:s20+$0x0] =	vst v5  }
0xbc: {  	s23 =	sor.u32 s31, s12;
	v5 =	vadd.s32 $0x2000, v2;
	v12 =	vld.idx.msk [tilespmem:v13+s3+$0x0], $0xffff  }
0xbd: {  	s15 =	sor.u32 s10, s15;
	v13 =	vld.idx.msk [tilespmem:v6+s3+$0x0], $0xffff;
	[tilespmem:s23+$0x0] =	vst v8  }
0xbe: {  	s24 =	simm.s32 $0x200;
	v14 =	vadd.s32 $0x3000, v0;
	s9 =	sor.u32 s6, s26;
	[tilespmem:s15+$0x0] =	vst v7;
	v7 =	vld.idx.msk [tilespmem:v9+s3+$0x0], $0xffff  }
0xbf: {  	v16 =	vadd.s32 $0x800, v6;
	s25 =	simm.s32 $0x50;
	s15 =	sadd.s32 $0xE280, s1;
	s23 =	sand.u32 $0x7C00, s24;
	v8 =	vld.idx.msk [tilespmem:v10+s3+$0x0], $0xffff  }
0xc0: {  	s25 =	sand.u32 $0x70, s25;
	[tilespmem:s9+$0x0] =	vst v11;
	s2 =	sor.u32 s0, s15;
	v15 =	vld.idx.msk [tilespmem:v4+s3+$0x0], $0xffff;
	s26 =	sadd.s32 $0xE000, s23;
	v9 =	vadd.s32 $0x2000, v1  }
0xc1: {  	s19 =	simm.s32 $0x5070;
	s13 =	sadd.s32 $0xE180, s7;
	s18 =	sor.u32 s25, s26;
	v5 =	vld.idx.msk [tilespmem:v5+s3+$0x0], $0xffff;
	[tilespmem:s2+$0x0] =	vst v12  }
0xc2: {  	s20 =	sor.u32 s31, s13;
	v10 =	vadd.s32 $0x800, v4;
	[tilespmem:s18+$0x0] =	vst v13;
	v13 =	vadd.s32 $0x3800, v0;
	v0 =	vld [tilespmem:s19+$0x0]  }
0xc3: {  	s5 =	simm.s32 $0x40;
	v11 =	vld.idx.msk [tilespmem:v14+s3+$0x0], $0xffff;
	[tilespmem:s20+$0x0] =	vst v7;
	v7 =	vadd.s32 $0x1800, v3  }
0xc4: {  	s12 =	sor.u32 s10, s12;
	s24 =	sand.u32 $0x60, s5;
	v12 =	vld.idx.msk [tilespmem:v16+s3+$0x0], $0xffff  }
0xc5: {  	s18 =	sor.u32 s24, s26;
	[tilespmem:s12+$0x0] =	vst v8;
	v14 =	vadd.s32 $0x1000, v6;
	v16 =	vld.idx.msk [tilespmem:v9+s3+$0x0], $0xffff  }
0xc6: {  	v17 =	vadd.s32 $0x2800, v2;
	s9 =	sadd.s32 $0xE300, s1;
	s2 =	sor.u32 s6, s11;
	[tilespmem:s18+$0x0] =	vst v15;
	v9 =	vld [tilespmem:s19+$0xFFFFFFF0]  }
0xc7: {  	s18 =	sadd.s32 $0xE080, s23;
	s20 =	sor.u32 s0, s9;
	v15 =	vadd.s32 $0x2800, v1;
	v10 =	vld.idx.msk [tilespmem:v10+s3+$0x0], $0xffff;
	[tilespmem:s2+$0x0] =	vst v5  }
0xc8: {  	s26 =	sor.u32 s25, s18;
	[tilespmem:s20+$0x0] =	vst v11;
	v5 =	vld.idx.msk [tilespmem:v7+s3+$0x0], $0xffff  }
0xc9: {  	s11 =	sadd.s32 $0xE200, s7;
	[tilespmem:s26+$0x0] =	vst v12;
	v11 =	vld.idx.msk [tilespmem:v13+s3+$0x0], $0xffff  }
0xca: {  	s5 =	sor.u32 s31, s11;
	v12 =	vadd.s32 $0x1000, v4;
	v8 =	vld.idx.msk [tilespmem:v14+s3+$0x0], $0xffff  }
0xcb: {  	[tilespmem:s5+$0x0] =	vst v16;
	v13 =	vld.idx.msk [tilespmem:v17+s3+$0x0], $0xffff;
	v14 =	vadd.s32 $0x2000, v3  }
0xcc: {  	v7 =	vadd.s32 $0x1800, v6;
	v15 =	vld.idx.msk [tilespmem:v15+s3+$0x0], $0xffff  }
0xcd: {  	s19 =	sor.u32 s24, s18;
	v16 =	vadd.s32 $0x3000, v2;
	v17 =	vld.idx.msk [tilespmem:v0+s3+$0x0], $0xffff  }
0xce: {  	v18 =	vadd.s32 $0x3000, v1;
	s13 =	sor.u32 s10, s13;
	s18 =	sadd.s32 $0xE100, s23;
	[tilespmem:s19+$0x0] =	vst v10;
	v10 =	vld.idx.msk [tilespmem:v9+s3+$0x0], $0xffff  }
0xcf: {  	s15 =	sor.u32 s6, s15;
	v19 =	vadd.s32 $0x800, v0;
	s20 =	sor.u32 s25, s18;
	s26 =	simm.s32 $0x300;
	v12 =	vld.idx.msk [tilespmem:v12+s3+$0x0], $0xffff;
	[tilespmem:s13+$0x0] =	vst v5  }
0xd0: {  	s2 =	simm.s32 $0x70;
	s26 =	sand.u32 $0x7C00, s26;
	s13 =	sadd.s32 $0xE280, s7;
	[tilespmem:s20+$0x0] =	vst v8;
	v5 =	vld.idx.msk [tilespmem:v14+s3+$0x0], $0xffff  }
0xd1: {  	s28 =	sand.u32 $0x70, s2;
	s19 =	sadd.s32 $0xE000, s26;
	s5 =	sor.u32 s31, s13;
	[tilespmem:s15+$0x0] =	vst v13;
	v7 =	vld.idx.msk [tilespmem:v7+s3+$0x0], $0xffff  }
0xd2: {  	s2 =	simm.s32 $0x60;
	s20 =	sor.u32 s28, s19;
	v14 =	vadd.s32 $0x800, v9;
	[tilespmem:s5+$0x0] =	vst v15;
	v13 =	vld.idx.msk [tilespmem:v16+s3+$0x0], $0xffff  }
0xd3: {  	s29 =	sand.u32 $0x60, s2;
	v8 =	vadd.s32 $0x2000, v6;
	[tilespmem:s20+$0x0] =	vst v17;
	v15 =	vld.idx.msk [tilespmem:v18+s3+$0x0], $0xffff  }
0xd4: {  	s15 =	sor.u32 s29, s19;
	s5 =	simm.s32 $0x5090;
	v17 =	vadd.s32 $0x3800, v1;
	v16 =	vld.idx.msk [tilespmem:v19+s3+$0x0], $0xffff  }
0xd5: {  	s12 =	sadd.s32 $0xE180, s23;
	s18 =	sor.u32 s24, s18;
	v1 =	vld [tilespmem:s5+$0x0];
	v18 =	vadd.s32 $0x1000, v0;
	[tilespmem:s15+$0x0] =	vst v10  }
0xd6: {  	s30 =	sor.u32 s25, s12;
	s19 =	sadd.s32 $0xE300, s7;
	v19 =	vadd.s32 $0x2800, v3;
	v24 =	vld [tilespmem:s5+$0xFFFFFFF0];
	[tilespmem:s18+$0x0] =	vst v12  }
0xd7: {  	s2 =	sor.u32 s31, s19;
	s15 =	sadd.s32 $0xE080, s26;
	v10 =	vld.idx.msk [tilespmem:v14+s3+$0x0], $0xffff;
	[tilespmem:s30+$0x0] =	vst v7;
	v7 =	vadd.s32 $0x1800, v4  }
0xd8: {  	s30 =	sor.u32 s28, s15;
	v8 =	vld.idx.msk [tilespmem:v8+s3+$0x0], $0xffff;
	[tilespmem:s2+$0x0] =	vst v15  }
0xd9: {  	s1 =	sadd.s32 $0xE380, s1;
	s11 =	sor.u32 s10, s11;
	v14 =	vadd.s32 $0x2800, v6;
	[tilespmem:s30+$0x0] =	vst v16;
	v25 =	vld.idx.msk [tilespmem:v17+s3+$0x0], $0xffff  }
0xda: {  	s0 =	sor.u32 s0, s1;
	[tilespmem:s11+$0x0] =	vst v5;
	v12 =	vld.idx.msk [tilespmem:v18+s3+$0x0], $0xffff  }
0xdb: {  	s9 =	sor.u32 s6, s9;
	[tilespmem:s0+$0x0] =	vst v11;
	s18 =	sadd.s32 $0xE200, s23;
	v15 =	vadd.s32 $0x1000, v9;
	v17 =	vld.idx.msk [tilespmem:v19+s3+$0x0], $0xffff  }
0xdc: {  	s5 =	sor.u32 s25, s18;
	[tilespmem:s9+$0x0] =	vst v13;
	v16 =	vadd.s32 $0x1800, v0;
	v7 =	vld.idx.msk [tilespmem:v7+s3+$0x0], $0xffff  }
0xdd: {  	s20 =	sor.u32 s29, s15;
	s9 =	sadd.s32 $0xE100, s26;
	v18 =	vadd.s32 $0x2000, v4;
	v13 =	vld.idx.msk [tilespmem:v1+s3+$0x0], $0xffff;
	[tilespmem:s5+$0x0] =	vst v8  }
0xde: {  	s1 =	sor.u32 s6, s1;
	s12 =	sor.u32 s24, s12;
	s2 =	sor.u32 s28, s9;
	[tilespmem:s20+$0x0] =	vst v10;
	v11 =	vld.idx.msk [tilespmem:v14+s3+$0x0], $0xffff;
	v14 =	vadd.s32 $0x3000, v3  }
0xdf: {  	v28 =	vadd.s32 $0x3800, v2;
	v23 =	vadd.s32 $0x3000, v6;
	s13 =	sor.u32 s10, s13;
	s11 =	simm.s32 $0x8;
	s15 =	sadd.s32 $0xE380, s7;
	v27 =	vld.idx.msk [tilespmem:v24+s3+$0x0], $0xffff;
	[tilespmem:s2+$0x0] =	vst v12  }
0xe0: {  	v2 =	vadd.s32 $0x3800, v4;
	v5 =	vadd.s32 $0x3000, v4;
	s7 =	sor.u32 s10, s19;
	s19 =	simm.s32 $0x400;
	s0 =	sor.u32 s10, s15;
	v26 =	vadd.s32 $0x800, v1;
	v19 =	vld.idx.msk [tilespmem:v15+s3+$0x0], $0xffff;
	[tilespmem:s13+$0x0] =	vst v17  }
0xe1: {  	s10 =	sadd.s32 $0xE280, s23;
	s20 =	simm.s32 $0x90;
	v10 =	vadd.s32 $0x2800, v9;
	v8 =	vadd.s32 $0x2800, v4;
	v15 =	vadd.s32 $0x1800, v9;
	s13 =	sor.u32 s31, s15;
	v21 =	vld.idx.msk [tilespmem:v16+s3+$0x0], $0xffff;
	[tilespmem:s12+$0x0] =	vst v7  }
0xe2: {  	s6 =	sand.u32 $0x7C00, s19;
	s30 =	sand.u32 $0x70, s20;
	s5 =	sor.u32 s25, s10;
	v4 =	vadd.s32 $0x3800, v9;
	v12 =	vadd.s32 $0x2000, v9;
	v17 =	vadd.s32 $0x1000, v24;
	[tilespmem:s13+$0x0] =	vst v25;
	v22 =	vld.idx.msk [tilespmem:v18+s3+$0x0], $0xffff  }
0xe3: {  	s10 =	sor.u32 s24, s10;
	s2 =	sadd.s32 $0xE000, s6;
	s31 =	simm.s32 $0x80;
	v16 =	vadd.s32 $0x1800, v24;
	v25 =	vadd.s32 $0x2000, v0;
	v7 =	vadd.s32 $0x3000, v9;
	[tilespmem:s5+$0x0] =	vst v11;
	v20 =	vld.idx.msk [tilespmem:v14+s3+$0x0], $0xffff  }
0xe4: {  	s15 =	sor.u32 s29, s9;
	s31 =	sand.u32 $0x60, s31;
	v9 =	vadd.s32 $0x3000, v24;
	v18 =	vadd.s32 $0x800, v24;
	s5 =	sor.u32 s30, s2;
	v14 =	vadd.s32 $0x2000, v24;
	v23 =	vld.idx.msk [tilespmem:v23+s3+$0x0], $0xffff  }
0xe5: {  	s12 =	sor.u32 s24, s18;
	s18 =	sadd.s32 $0xE180, s26;
	v11 =	vadd.s32 $0x2800, v24;
	s2 =	sor.u32 s31, s2;
	[tilespmem:s5+$0x0] =	vst v13;
	v13 =	vadd.s32 $0x3800, v24;
	v24 =	vadd.s32 $0x3800, v6;
	v6 =	vld.idx.msk [tilespmem:v28+s3+$0x0], $0xffff  }
0xe6: {  	v3 =	vadd.s32 $0x3800, v3;
	s9 =	simm.s32 $0x50B0;
	s13 =	sor.u32 s29, s18;
	s18 =	sor.u32 s28, s18;
	[tilespmem:s2+$0x0] =	vst v27;
	v26 =	vld.idx.msk [tilespmem:v26+s3+$0x0], $0xffff  }
.LBB2_9:
0xe7: {  	v27 =	vld [tilespmem:s9+$0x0];
	v28 =	vadd.s32 $0x1000, v1;
	[tilespmem:s18+$0x0] =	vst v21;
	v29 =	vmov v4;
	v4 =	vmov v13  }
0xe8: {  	s11 =	sadd.s32 $0x2, s11;
	s2 =	sadd.s32 $0xE300, s23;
	[tilespmem:s15+$0x0] =	vst v19;
	v13 =	vld.idx.msk [tilespmem:v25+s3+$0x0], $0xffff  }
0xe9: {  	s5 =	sadd.s32 $0xE080, s6;
	p0 =	slt.u32 s11, $0xFE;
	v19 =	vld [tilespmem:s9+$0xFFFFFFF0];
	[tilespmem:s12+$0x0] =	vst v22;
	s12 =	sor.u32 s25, s2  }
0xea: {  	s15 =	sor.u32 s31, s5;
	s5 =	sor.u32 s30, s5;
	v22 =	vadd.s32 $0x2800, v0;
	s2 =	sor.u32 s24, s2;
	v21 =	vld.idx.msk [tilespmem:v18+s3+$0x0], $0xffff;
	[tilespmem:s12+$0x0] =	vst v23  }
0xeb: {  	[tilespmem:s5+$0x0] =	vst v26;
	v23 =	vld.idx.msk [tilespmem:v24+s3+$0x0], $0xffff  }
0xec: {  	s5 =	sadd.s32 $0xE200, s26;
	v24 =	vld.idx.msk [tilespmem:v28+s3+$0x0], $0xffff;
	[tilespmem:s7+$0x0] =	vst v20;
	s7 =	smov.u32 s2  }
0xed: {  	s12 =	sor.u32 s29, s5;
	s2 =	sor.u32 s28, s5;
	v20 =	vld.idx.msk [tilespmem:v15+s3+$0x0], $0xffff;
	[tilespmem:s1+$0x0] =	vst v6;
	v15 =	vmov v16;
	s1 =	smov.u32 s0  }
0xee: {  	s19 =	sadd.s32 $0x100, s19;
	v25 =	vadd.s32 $0x1800, v1;
	v18 =	vadd.s32 $0x800, v19;
	v6 =	vadd.s32 $0x1000, v19;
	[tilespmem:s2+$0x0] =	vst v13;
	v26 =	vld.idx.msk [tilespmem:v8+s3+$0x0], $0xffff;
	v8 =	vmovc v10;
	v10 =	vmovc v11  }
0xef: {  	v16 =	vadd.s32 $0x1800, v19;
	v28 =	vadd.s32 $0x2000, v19;
	v11 =	vadd.s32 $0x2800, v19;
	s2 =	sadd.s32 $0xE380, s23;
	s23 =	smov.u32 s26;
	s26 =	smov.u32 s6;
	v30 =	vld.idx.msk [tilespmem:v22+s3+$0x0], $0xffff  }
0xf0: {  	v31 =	vadd.s32 $0x3000, v19;
	v13 =	vadd.s32 $0x3800, v19;
	s5 =	sadd.s32 $0xE100, s26;
	s0 =	sor.u32 s24, s2;
	s2 =	sor.u32 s25, s2;
	v32 =	vld.idx.msk [tilespmem:v27+s3+$0x0], $0xffff;
	[tilespmem:s15+$0x0] =	vst v21  }
0xf1: {  	v34 =	vadd.s32 $0x3000, v0;
	s25 =	smov.u32 s28;
	s15 =	sor.u32 s31, s5;
	s5 =	sor.u32 s30, s5;
	v33 =	vld.idx.msk [tilespmem:v19+s3+$0x0], $0xffff;
	[tilespmem:s2+$0x0] =	vst v23  }
0xf2: {  	s20 =	sadd.s32 $0x20, s20;
	v35 =	vadd.s32 $0x800, v27;
	s28 =	smov.u32 s30;
	s24 =	smov.u32 s29;
	v19 =	vld.idx.msk [tilespmem:v17+s3+$0x0], $0xffff;
	[tilespmem:s5+$0x0] =	vst v24;
	v17 =	vmov v6  }
0xf3: {  	s6 =	sand.u32 $0x7C00, s19;
	s30 =	sand.u32 $0x70, s20;
	s2 =	sadd.s32 $0xE280, s23;
	v21 =	vld.idx.msk [tilespmem:v25+s3+$0x0], $0xffff;
	[tilespmem:s13+$0x0] =	vst v20  }
.Ltmp4:
0xf4: {  	s5 =	sadd.s32 $0xE000, s6;
	s13 =	sor.u32 s25, s2;
	v22 =	vld.idx.msk [tilespmem:v12+s3+$0x0], $0xffff;
	[tilespmem:s10+$0x0] =	vst v26;
	(pc) =	sbr.rel @p0 .LBB2_9-.Ltmp4, $4  }
0xf5: {  	s18 =	sadd.s32 $0xFFFFFFF0, s20;
	s29 =	sor.u32 s30, s5;
	v25 =	vadd.s32 $0x2000, v1;
	s10 =	sor.u32 s24, s2;
	v12 =	vmovc v14;
	v14 =	vmovc v28;
	[tilespmem:s13+$0x0] =	vst v30;
	v20 =	vld.idx.msk [tilespmem:v5+s3+$0x0], $0xffff;
	v5 =	vmov v7;
	v7 =	vmov v9  }
0xf6: {  	v9 =	vmov v31;
	[tilespmem:s29+$0x0] =	vst v32;
	v23 =	vld.idx.msk [tilespmem:v34+s3+$0x0], $0xffff;
	s29 =	smov.u32 s31;
	s31 =	sand.u32 $0x60, s18  }
0xf7: {  	s2 =	sor.u32 s31, s5;
	v26 =	vld.idx.msk [tilespmem:v35+s3+$0x0], $0xffff;
	s5 =	sadd.s32 $0xE180, s26  }
0xf8: {  	s9 =	sadd.s32 $0x20, s9;
	v24 =	vadd.s32 $0x3800, v0;
	v0 =	vmovc v1;
	v1 =	vmovc v27;
	[tilespmem:s2+$0x0] =	vst v33;
	s13 =	sor.u32 s29, s5;
	s18 =	sor.u32 s28, s5;
	v6 =	vld.idx.msk [tilespmem:v3+s3+$0x0], $0xffff;
	v3 =	vmov v2;
	v2 =	vmov v29  }
0xf9: {  	_ =	sdelay $0x3  }
0xfa: {  	v27 =	vadd.s32 $0x1000, v1;
	v18 =	vld.idx.msk [tilespmem:v18+s3+$0x0], $0xffff;
	_ =	sdelay $0x1  }
0xfb: {  	s2 =	sadd.s32 $0xE080, s6  }
0xfc: {  	s5 =	sor.u32 s30, s2  }
0xfd: {  	s2 =	sor.u32 s31, s2;
	[tilespmem:s5+$0x0] =	vst v26  }
0xfe: {  	v26 =	vld.idx.msk [tilespmem:v27+s3+$0x0], $0xffff;
	[tilespmem:s2+$0x0] =	vst v18  }
0xff: {  	v46 =	vadd.s32 $0x1800, v1;
	v17 =	vld.idx.msk [tilespmem:v17+s3+$0x0], $0xffff;
	_ =	sdelay $0x1  }
0x100: {  	s9 =	sadd.s32 $0xE100, s6  }
0x101: {  	[tilespmem:s15+$0x0] =	vst v19;
	s11 =	sor.u32 s30, s9  }
0x102: {  	v15 =	vld.idx.msk [tilespmem:v15+s3+$0x0], $0xffff;
	s2 =	sor.u32 s31, s9;
	[tilespmem:s11+$0x0] =	vst v26  }
0x103: {  	v47 =	vld.idx.msk [tilespmem:v46+s3+$0x0], $0xffff;
	[tilespmem:s2+$0x0] =	vst v17  }
0x104: {  	v48 =	vadd.s32 $0x2000, v1;
	v16 =	vld.idx.msk [tilespmem:v16+s3+$0x0], $0xffff  }
0x105: {  	[tilespmem:s18+$0x0] =	vst v21  }
0x106: {  	s19 =	sadd.s32 $0xE180, s6;
	[tilespmem:s12+$0x0] =	vst v22  }
0x107: {  	v49 =	vld.idx.msk [tilespmem:v25+s3+$0x0], $0xffff;
	s20 =	sor.u32 s30, s19;
	[tilespmem:s13+$0x0] =	vst v15  }
0x108: {  	v50 =	vadd.s32 $0x2800, v0;
	v12 =	vld.idx.msk [tilespmem:v12+s3+$0x0], $0xffff;
	s2 =	sor.u32 s31, s19;
	[tilespmem:s20+$0x0] =	vst v47  }
0x109: {  	s5 =	sadd.s32 $0xE300, s23;
	v51 =	vld.idx.msk [tilespmem:v48+s3+$0x0], $0xffff;
	[tilespmem:s2+$0x0] =	vst v16  }
0x10a: {  	v52 =	vadd.s32 $0x2800, v1;
	[tilespmem:s7+$0x0] =	vst v20;
	s9 =	sor.u32 s25, s5;
	s11 =	sadd.s32 $0xE200, s26;
	v14 =	vld.idx.msk [tilespmem:v14+s3+$0x0], $0xffff  }
0x10b: {  	[tilespmem:s9+$0x0] =	vst v23;
	s9 =	sor.u32 s28, s11  }
0x10c: {  	s12 =	sadd.s32 $0xE200, s6;
	v8 =	vld.idx.msk [tilespmem:v8+s3+$0x0], $0xffff;
	s15 =	sor.u32 s29, s11;
	[tilespmem:s9+$0x0] =	vst v49  }
0x10d: {  	s13 =	sor.u32 s30, s12;
	[tilespmem:s15+$0x0] =	vst v12;
	v53 =	vld.idx.msk [tilespmem:v50+s3+$0x0], $0xffff  }
0x10e: {  	v54 =	vadd.s32 $0x3000, v0;
	v10 =	vld.idx.msk [tilespmem:v10+s3+$0x0], $0xffff;
	s2 =	sor.u32 s31, s12;
	[tilespmem:s13+$0x0] =	vst v51  }
0x10f: {  	v55 =	vld.idx.msk [tilespmem:v52+s3+$0x0], $0xffff;
	[tilespmem:s2+$0x0] =	vst v14  }
0x110: {  	s18 =	sadd.s32 $0xE280, s26;
	v56 =	vadd.s32 $0x3000, v1;
	[tilespmem:s1+$0x0] =	vst v6;
	v57 =	vld.idx.msk [tilespmem:v11+s3+$0x0], $0xffff  }
0x111: {  	v3 =	vld.idx.msk [tilespmem:v3+s3+$0x0], $0xffff;
	[tilespmem:s10+$0x0] =	vst v8;
	s19 =	sor.u32 s28, s18  }
0x112: {  	s7 =	sor.u32 s29, s18;
	v5 =	vld.idx.msk [tilespmem:v5+s3+$0x0], $0xffff;
	s20 =	sadd.s32 $0xE280, s6;
	[tilespmem:s19+$0x0] =	vst v53  }
0x113: {  	s9 =	sor.u32 s30, s20;
	[tilespmem:s7+$0x0] =	vst v10;
	v59 =	vld.idx.msk [tilespmem:v54+s3+$0x0], $0xffff  }
0x114: {  	v60 =	vadd.s32 $0x3800, v0;
	s1 =	sor.u32 s31, s20;
	v7 =	vld.idx.msk [tilespmem:v7+s3+$0x0], $0xffff;
	[tilespmem:s9+$0x0] =	vst v55  }
0x115: {  	v61 =	vld.idx.msk [tilespmem:v56+s3+$0x0], $0xffff;
	[tilespmem:s1+$0x0] =	vst v57  }
0x116: {  	v62 =	vadd.s32 $0x3800, v1;
	s5 =	sor.u32 s24, s5;
	[tilespmem:s0+$0x0] =	vst v3;
	s12 =	sadd.s32 $0xE300, s26;
	v6 =	vld.idx.msk [tilespmem:v9+s3+$0x0], $0xffff  }
0x117: {  	v58 =	vld.idx.msk [tilespmem:v24+s3+$0x0], $0xffff;
	[tilespmem:s5+$0x0] =	vst v5;
	s13 =	sor.u32 s28, s12  }
0x118: {  	s15 =	sadd.s32 $0xE300, s6;
	v2 =	vld.idx.msk [tilespmem:v2+s3+$0x0], $0xffff;
	s19 =	sor.u32 s29, s12;
	[tilespmem:s13+$0x0] =	vst v59  }
0x119: {  	s18 =	sor.u32 s30, s15;
	[tilespmem:s19+$0x0] =	vst v7;
	v0 =	vld.idx.msk [tilespmem:v60+s3+$0x0], $0xffff  }
0x11a: {  	s10 =	sadd.s32 $0xE380, s23;
	v4 =	vld.idx.msk [tilespmem:v4+s3+$0x0], $0xffff;
	s1 =	sor.u32 s31, s15;
	[tilespmem:s18+$0x0] =	vst v61  }
0x11b: {  	s11 =	sor.u32 s25, s10;
	v1 =	vld.idx.msk [tilespmem:v62+s3+$0x0], $0xffff;
	[tilespmem:s1+$0x0] =	vst v6  }
0x11c: {  	s21 =	sadd.s32 $0x1, s21;
	s24 =	sor.u32 s24, s10;
	[tilespmem:s11+$0x0] =	vst v58;
	s20 =	sadd.s32 $0xE380, s26;
	v63 =	vld.idx.msk [tilespmem:v13+s3+$0x0], $0xffff  }
0x11d: {  	p0 =	sne.s32 s21, $0x19;
	s25 =	sadd.s32 $0xE380, s6;
	s23 =	sor.u32 s28, s20;
	[tilespmem:s24+$0x0] =	vst v2  }
.Ltmp5:
0x11e: {  	s5 =	sor.u32 s29, s20;
	s28 =	sshll.u32 s22, $0x12;
	[tilespmem:s23+$0x0] =	vst v0;
	(pc) =	sbr.rel @p0 .LBB2_2-.Ltmp5, $4  }
0x11f: {  	s26 =	sor.u32 s30, s25;
	s29 =	sor.u32 s8, s28;
	[tilespmem:s5+$0x0] =	vst v4  }
0x120: {  	s0 =	sor.u32 s31, s25;
	s15 =	rddreg [dreg:$0x1];
	s1 =	sshrl.u32 s29, $0x3;
	[tilespmem:s26+$0x0] =	vst v1  }
0x121: {  	s31 =	simm.s32 $0xE000;
	s30 =	sadd.s32 s15, s1;
	[tilespmem:s0+$0x0] =	vst v63  }
0x122: {  	[hbm4b:s30+s3] =	stream.linear.scatter [tilespmem:s31], [sflag:$0x4], $0x8000, $0x38;
	[tilespmem:$0x16000] =	vst v63  }
0x123: {  	s0 =	simm.s32 $0x3  }
0x124: {  	_ =	swait.ge [sflag:s0], $0x8000  }
0x125: {  	[sflag:s0] =	ssyncset.done $0x0  }
0x126: {  	[sflag:s0] =	ssyncadd.s32 $0xFFFF8000  }
0x127: {  	_ =	swait.ge [sflag:s17], $0x8000  }
0x128: {  	s1 =	rddreg [dreg:$0x8]  }
0x129: {  	s31 =	rddreg [dreg:$0x7];
	s1 =	sadd.s32 $0x1, s1  }
0x12a: {  	p0 =	sne.s32 s1, s31  }
.Ltmp6:
0x12b: {  	_ = 	snop;
	(pc) =	sbr.rel @p0 .LBB2_1-.Ltmp6, $3  }
0x12c: {  	_ =	sdelay $0x1  }
0x12d: {  	[sflag:s17] =	ssyncset.done $0x0  }
0x12e: {  	[sflag:s17] =	ssyncadd.s32 $0xFFFF8000  }
0x12f: {  	_ =	sfence.sel $0x180000  }
0x130: {  	[bflag:$0x0] =	sbarrier.arrive $0xFFFF  }
0x131: {  	_ =	strace $0x90000047  }
0x132: {  	s0 =	stileid.u32;
	[bflag:$0x2] =	sbarrier.arrive $0xFFFF  }
0x133: {  	p0 =	sne.s32 s0, $0x0;
	s0 =	rddreg [dreg:$0x2]  }
0x134: {  	s0 =	sadd.s32 @!p0 $0x100000, s0  }
0x135: {  	[sflag:s0] =	ssyncadd.tile.s32 @!p0 $0x1;
	_ =	shalt  }
.Lfunc_end2:
_tile_overlayer_lowered:
.L_overlay_start_2:
0x136: {  	(tag) =	ssettag $0x2  }
0x137: {  	s0 =	rddreg [dreg:$0x0];
	s2 =	stileid.u32  }
0x138: {  	s1 =	rddreg [dreg:$0x1];
	p0 =	sne.s32 s2, $0x0  }
0x139: {  	s3 =	rddreg [dreg:$0x2];
	[bflag:$0x3] =	sbarrier.arrive $0xFFFF;
	s2 =	simm.s32 @!p0 $0x1C05  }
0x13a: {  	[timem:s3], [sflag:s2] =	dma.local @!p0 [hbm:s0], s1  }
0x13b: {  	s0 =	simm.s32 @!p0 $0x5  }
0x13c: {  	_ =	swait.ge @!p0 [sflag:s0], s1  }
0x13d: {  	s1 =	ssub.s32 @!p0 $0x0, s1;
	[sflag:s0] =	ssyncset.done @!p0 $0x0  }
0x13e: {  	[sflag:s0] =	ssyncadd.s32 @!p0 s1  }
0x13f: {  	[bflag:$0x3] =	sbarrier.arrive $0xFFFF  }
0x140: {  	_ =	shalt  }

</sc_bundles>
